<compile_context>
chip_gen: v7x
topology: tpu7x:2x2x1
jax: 0.10.2.dev20260603
libtpu: 0.0.44.dev20260713+nightly
codegen_flags: <defaults>
</compile_context>

<pallas_src>
import functools

import jax
import jax.numpy as jnp
from jax import lax
from jax.experimental import pallas as pl
from jax.experimental.pallas import tpu as pltpu
from jax.experimental.pallas import tpu_sc as plsc

NUM_EMB = 8192
D = 64
B_ROWS = 4096
T = 200
L = 16

NC = 2
NS = 16
NW = NC * NS

DH = 8
TQ = NW // DH
T_PER_W = T // TQ
BH = 32
HB = BH // 2

_mesh = plsc.VectorSubcoreMesh(core_axis_name="c", subcore_axis_name="s")


@functools.partial(
    pl.kernel,
    out_type=jax.ShapeDtypeStruct((T, DH, BH, 8, 128), jnp.float32),
    mesh=_mesh,
    scratch_types=[
        pltpu.VMEM((8, NUM_EMB), jnp.float32),
        pltpu.VMEM((2, B_ROWS), jnp.int32),
        pltpu.VMEM((HB, 8, 128), jnp.float32),
        pltpu.VMEM((HB, 8, 128), jnp.float32),
        pltpu.SemaphoreType.DMA,
        pltpu.SemaphoreType.DMA,
        pltpu.SemaphoreType.DMA,
    ],
    compiler_params=pltpu.CompilerParams(needs_layout_passes=False),
)
def _gather_t(tableT_hbm, idxT_hbm, out_hbm, slab_v, idx_v, ob_a, ob_b,
              isem, osa, osb):
    wid = lax.axis_index("s") * NC + lax.axis_index("c")
    dh = wid // TQ
    t0 = (wid % TQ) * T_PER_W

    pltpu.sync_copy(tableT_hbm.at[pl.ds(dh * 8, 8)], slab_v)
    pltpu.async_copy(idxT_hbm.at[t0], idx_v.at[0], isem)

    dl_splats = [jnp.full((L,), dl, jnp.int32) for dl in range(8)]

    def fill_tile(tb, bh, ob, bh_loc):
        vals_prev = None
        for g in range(128 // L):
            iv = idx_v[tb, pl.ds(bh * 128 + g * L, L)]
            vals = [plsc.load_gather(slab_v, [dl_splats[dl], iv])
                    for dl in range(8)]
            if vals_prev is not None:
                for dl in range(8):
                    ob[bh_loc, dl, pl.ds((g - 1) * L, L)] = vals_prev[dl]
            vals_prev = vals
        for dl in range(8):
            ob[bh_loc, dl, pl.ds((128 // L - 1) * L, L)] = vals_prev[dl]

    def t_step(ti, carry):
        t = t0 + ti
        tb = lax.rem(ti, 2)
        pltpu.make_async_copy(idxT_hbm.at[t0], idx_v.at[0], isem).wait()

        @pl.when(ti + 1 < T_PER_W)
        def _():
            pltpu.async_copy(idxT_hbm.at[t + 1], idx_v.at[1 - tb], isem)

        def half(ob, osem, h):
            @pl.when(ti > 0)
            def _():
                pltpu.make_async_copy(
                    ob, out_hbm.at[t, dh, pl.ds(h * HB, HB)], osem).wait()

            def tile_body(bh_loc, c):
                fill_tile(tb, h * HB + bh_loc, ob, bh_loc)
                return c

            lax.fori_loop(0, HB, tile_body, 0)
            pltpu.async_copy(ob, out_hbm.at[t, dh, pl.ds(h * HB, HB)], osem)

        half(ob_a, osa, 0)
        half(ob_b, osb, 1)
        return carry

    lax.fori_loop(0, T_PER_W, t_step, 0)
    pltpu.make_async_copy(ob_a, out_hbm.at[t0, dh, pl.ds(0, HB)], osa).wait()
    pltpu.make_async_copy(ob_b, out_hbm.at[t0, dh, pl.ds(HB, HB)], osb).wait()


def kernel(idx, weight):
    tableT = weight.T
    idxT = idx.T.astype(jnp.int32)
    out5 = _gather_t(tableT, idxT)
    return out5.transpose(2, 4, 0, 1, 3).reshape(B_ROWS, T, D)

# --- scband reference (transcript-rebuilt; emitter-appended) ---
"""Pipeline reference for scband-positional-encoding-79250736546123 (READ-ONLY COPY).

The authoritative reference and input builder live on the scoring server;
editing this copy changes nothing except your own understanding.
"""

import jax, jax.numpy as jnp
import numpy as np

NUM_EMBEDDINGS = 8192
EMBEDDING_DIM = 64
N_BASE = 10000.0


def get_positional_encoding(seq_len, embed_dim, n=10000.0):
    pos = jnp.arange(seq_len, dtype=jnp.float32)[:, None]  # [L, 1]
    i = jnp.arange(embed_dim // 2, dtype=jnp.float32)[None, :]  # [1, D/2]
    denominator = jnp.power(n, 2.0 * i / embed_dim)  # [1, D/2]
    angles = pos / denominator  # [L, D/2]
    pe = jnp.zeros((seq_len, embed_dim), dtype=jnp.float32)
    pe = pe.at[:, 0::2].set(jnp.sin(angles))
    pe = pe.at[:, 1::2].set(jnp.cos(angles))
    return pe


def setup_inputs(seed: int = 0) -> dict:
    key = jax.random.key(seed)
    k_idx, = jax.random.split(key, 1)
    idx = jax.random.randint(k_idx, (4096, 200), 0, NUM_EMBEDDINGS, dtype=jnp.int64 if jax.config.jax_enable_x64 else jnp.int32)
    weight = get_positional_encoding(NUM_EMBEDDINGS, EMBEDDING_DIM, N_BASE)
    return {"idx": idx, "weight": weight}


def reference(idx, weight):
    # forward: self.weight[idx, :] -> gather rows of the positional table
    return jnp.take(weight, idx, axis=0)

if __name__ == "__main__":
    import jax
    _d = setup_inputs()
    print(jax.jit(kernel)(*tuple(_d.values())))

</pallas_src>

<mosaic_0001>
#map = affine_map<(d0, d1) -> (0, 0)>
#map1 = affine_map<(d0, d1) -> (0, 0, 0, 0, 0)>
module attributes {stable_mosaic.version = 14 : i64} {
  func.func @_gather_t(%arg0: i32, %arg1: i32, %arg2: memref<64x8192xf32, #tpu.memory_space<hbm>>, %arg3: memref<200x4096xi32, #tpu.memory_space<hbm>>, %arg4: memref<200x8x32x8x128xf32, #tpu.memory_space<hbm>>, %arg5: memref<8x8192xf32, #tpu.memory_space<vmem>>, %arg6: memref<2x4096xi32, #tpu.memory_space<vmem>>, %arg7: memref<16x8x128xf32, #tpu.memory_space<vmem>>, %arg8: memref<16x8x128xf32, #tpu.memory_space<vmem>>, %arg9: memref<!tpu.dma_semaphore, #tpu.memory_space<semaphore_mem>>, %arg10: memref<!tpu.dma_semaphore, #tpu.memory_space<semaphore_mem>>, %arg11: memref<!tpu.dma_semaphore, #tpu.memory_space<semaphore_mem>>) attributes {dimension_semantics = [#tpu.dimension_semantics<core_parallel>, #tpu.dimension_semantics<subcore_parallel>], iteration_bounds = array<i64: 2, 16>, scalar_prefetch = 0 : i64, scratch_operands = 7 : i64, tpu.core_type = #tpu.core_type<sc_vector_subcore>, window_params = [{transform_indices = #map}, {transform_indices = #map}, {transform_indices = #map1}]} {
    %mul3A = arith.constant 2 : i32
    %mul3A_0 = arith.muli %arg1, %mul3A : i32
    %add3A = arith.addi %mul3A_0, %arg0 : i32
    %jit3A = arith.constant 4 : i32
    %div3A = arith.divsi %add3A, %jit3A : i32
    %sign3A = arith.constant 0 : i32
    %sign3A_1 = arith.cmpi sgt, %add3A, %sign3A : i32
    %sign3A_2 = arith.extui %sign3A_1 : i1 to i32
    %sign3A_3 = arith.constant 0 : i32
    %sign3A_4 = arith.cmpi slt, %add3A, %sign3A_3 : i32
    %sign3A_5 = arith.extui %sign3A_4 : i1 to i32
    %sign3A_6 = arith.subi %sign3A_2, %sign3A_5 : i32
    %sign3A_7 = arith.constant 0 : i32
    %sign3A_8 = arith.cmpi sgt, %jit3A, %sign3A_7 : i32
    %sign3A_9 = arith.extui %sign3A_8 : i1 to i32
    %sign3A_10 = arith.constant 0 : i32
    %sign3A_11 = arith.cmpi slt, %jit3A, %sign3A_10 : i32
    %sign3A_12 = arith.extui %sign3A_11 : i1 to i32
    %sign3A_13 = arith.subi %sign3A_9, %sign3A_12 : i32
    %ne3A = arith.cmpi ne, %sign3A_6, %sign3A_13 : i32
    %rem3A = arith.remsi %add3A, %jit3A : i32
    %ne3A_14 = arith.constant 0 : i32
    %ne3A_15 = arith.cmpi ne, %rem3A, %ne3A_14 : i32
    %and3A = arith.andi %ne3A, %ne3A_15 : i1
    %sub3A = arith.constant 1 : i32
    %sub3A_16 = arith.subi %div3A, %sub3A : i32
    %select_n3A = arith.select %and3A, %sub3A_16, %div3A : i32
    %jit3A_17 = arith.constant 4 : i32
    %eq3A = arith.constant 0 : i32
    %eq3A_18 = arith.cmpi eq, %jit3A_17, %eq3A : i32
    %jit3A_19 = arith.constant 1 : i32
    %select_n3A_20 = arith.select %eq3A_18, %jit3A_19, %jit3A_17 : i32
    %rem3A_21 = arith.remsi %add3A, %select_n3A_20 : i32
    %ne3A_22 = arith.constant 0 : i32
    %ne3A_23 = arith.cmpi ne, %rem3A_21, %ne3A_22 : i32
    %lt3A = arith.constant 0 : i32
    %lt3A_24 = arith.cmpi slt, %rem3A_21, %lt3A : i32
    %lt3A_25 = arith.constant 0 : i32
    %lt3A_26 = arith.cmpi slt, %select_n3A_20, %lt3A_25 : i32
    %ne3A_27 = arith.xori %lt3A_24, %lt3A_26 : i1
    %and3A_28 = arith.andi %ne3A_27, %ne3A_23 : i1
    %add3A_29 = arith.addi %rem3A_21, %select_n3A_20 : i32
    %select_n3A_30 = arith.select %and3A_28, %add3A_29, %rem3A_21 : i32
    %mul3A_31 = arith.constant 50 : i32
    %mul3A_32 = arith.muli %select_n3A_30, %mul3A_31 : i32
    %mul3A_33 = arith.constant 8 : i32
    %mul3A_34 = arith.muli %select_n3A, %mul3A_33 : i32
    "tpu.region"() ({
      %run_scoped3A = tpu.sem_alloc : memref<!tpu.dma_semaphore, #tpu.memory_space<semaphore_mem>>
      %dma_start3A_86 = arith.constant 0 : i32
      %dma_start3A_87 = tpu.memref_slice %arg2[%mul3A_34, %dma_start3A_86] : memref<64x8192xf32, #tpu.memory_space<hbm>> -> memref<8x8192xf32, #tpu.memory_space<hbm>>
      %dma_start3A_88 = arith.constant 0 : i32
      %dma_start3A_89 = tpu.memref_slice %arg2[%mul3A_34, %dma_start3A_88] : memref<64x8192xf32, #tpu.memory_space<hbm>> -> memref<8x8192xf32, #tpu.memory_space<hbm>>
      tpu.enqueue_dma source(%dma_start3A_89 : memref<8x8192xf32, #tpu.memory_space<hbm>>) target(%arg5 : memref<8x8192xf32, #tpu.memory_space<vmem>>) target_semaphore(%run_scoped3A : memref<!tpu.dma_semaphore, #tpu.memory_space<semaphore_mem>>)
      %dma_wait3A_90 = arith.constant 0 : i32
      %dma_wait3A_91 = tpu.memref_slice %arg2[%mul3A_34, %dma_wait3A_90] : memref<64x8192xf32, #tpu.memory_space<hbm>> -> memref<8x8192xf32, #tpu.memory_space<hbm>>
      %dma_wait3A_92 = arith.constant 0 : i32
      %dma_wait3A_93 = tpu.memref_slice %arg2[%mul3A_34, %dma_wait3A_92] : memref<64x8192xf32, #tpu.memory_space<hbm>> -> memref<8x8192xf32, #tpu.memory_space<hbm>>
      tpu.wait_dma2 semaphore(%run_scoped3A : memref<!tpu.dma_semaphore, #tpu.memory_space<semaphore_mem>>) src(%dma_wait3A_93 : memref<8x8192xf32, #tpu.memory_space<hbm>>) dst(%arg5 : memref<8x8192xf32, #tpu.memory_space<vmem>>)
      tpu.yield
    }) : () -> ()
    %dma_start3A = arith.constant 0 : i32
    %dma_start3A_35 = arith.constant 0 : i32
    %dma_start3A_36 = tpu.memref_slice %arg6[%dma_start3A, %dma_start3A_35] : memref<2x4096xi32, #tpu.memory_space<vmem>> -> memref<1x4096xi32, #tpu.memory_space<vmem>>
    %dma_start3A_37 = tpu.memref_squeeze %dma_start3A_36 : memref<1x4096xi32, #tpu.memory_space<vmem>> -> memref<4096xi32, #tpu.memory_space<vmem>>
    %dma_start3A_38 = arith.constant 0 : i32
    %dma_start3A_39 = tpu.memref_slice %arg3[%mul3A_32, %dma_start3A_38] : memref<200x4096xi32, #tpu.memory_space<hbm>> -> memref<1x4096xi32, #tpu.memory_space<hbm>>
    %dma_start3A_40 = tpu.memref_squeeze %dma_start3A_39 : memref<1x4096xi32, #tpu.memory_space<hbm>> -> memref<4096xi32, #tpu.memory_space<hbm>>
    %dma_start3A_41 = arith.constant 0 : i32
    %dma_start3A_42 = tpu.memref_slice %arg6[%dma_start3A, %dma_start3A_41] : memref<2x4096xi32, #tpu.memory_space<vmem>> -> memref<1x4096xi32, #tpu.memory_space<vmem>>
    %dma_start3A_43 = tpu.memref_squeeze %dma_start3A_42 : memref<1x4096xi32, #tpu.memory_space<vmem>> -> memref<4096xi32, #tpu.memory_space<vmem>>
    %dma_start3A_44 = arith.constant 0 : i32
    %dma_start3A_45 = tpu.memref_slice %arg3[%mul3A_32, %dma_start3A_44] : memref<200x4096xi32, #tpu.memory_space<hbm>> -> memref<1x4096xi32, #tpu.memory_space<hbm>>
    %dma_start3A_46 = tpu.memref_squeeze %dma_start3A_45 : memref<1x4096xi32, #tpu.memory_space<hbm>> -> memref<4096xi32, #tpu.memory_space<hbm>>
    tpu.enqueue_dma source(%dma_start3A_46 : memref<4096xi32, #tpu.memory_space<hbm>>) target(%dma_start3A_43 : memref<4096xi32, #tpu.memory_space<vmem>>) target_semaphore(%arg9 : memref<!tpu.dma_semaphore, #tpu.memory_space<semaphore_mem>>)
    %broadcast_in_dim3A = arith.constant 0 : i32
    %broadcast_in_dim3A_47 = vector.broadcast %broadcast_in_dim3A : i32 to vector<16xi32>
    %broadcast_in_dim3A_48 = arith.constant 1 : i32
    %broadcast_in_dim3A_49 = vector.broadcast %broadcast_in_dim3A_48 : i32 to vector<16xi32>
    %broadcast_in_dim3A_50 = arith.constant 2 : i32
    %broadcast_in_dim3A_51 = vector.broadcast %broadcast_in_dim3A_50 : i32 to vector<16xi32>
    %broadcast_in_dim3A_52 = arith.constant 3 : i32
    %broadcast_in_dim3A_53 = vector.broadcast %broadcast_in_dim3A_52 : i32 to vector<16xi32>
    %broadcast_in_dim3A_54 = arith.constant 4 : i32
    %broadcast_in_dim3A_55 = vector.broadcast %broadcast_in_dim3A_54 : i32 to vector<16xi32>
    %broadcast_in_dim3A_56 = arith.constant 5 : i32
    %broadcast_in_dim3A_57 = vector.broadcast %broadcast_in_dim3A_56 : i32 to vector<16xi32>
    %broadcast_in_dim3A_58 = arith.constant 6 : i32
    %broadcast_in_dim3A_59 = vector.broadcast %broadcast_in_dim3A_58 : i32 to vector<16xi32>
    %broadcast_in_dim3A_60 = arith.constant 7 : i32
    %broadcast_in_dim3A_61 = vector.broadcast %broadcast_in_dim3A_60 : i32 to vector<16xi32>
    %scan3A = arith.constant 0 : i32
    %scan3A_62 = arith.constant 0 : i32
    %scan3A_63 = arith.constant 50 : i32
    %scan3A_64 = arith.addi %scan3A_62, %scan3A_63 : i32
    %scan3A_65 = arith.constant 1 : i32
    scf.for %scan3A_86 = %scan3A_62 to %scan3A_64 step %scan3A_65  : i32 {
      %add3A_87 = arith.addi %mul3A_32, %scan3A_86 : i32
      %rem3A_88 = arith.constant 2 : i32
      %rem3A_89 = arith.remsi %scan3A_86, %rem3A_88 : i32
      %dma_wait3A_90 = arith.constant 0 : i32
      %dma_wait3A_91 = arith.constant 0 : i32
      %dma_wait3A_92 = tpu.memref_slice %arg6[%dma_wait3A_90, %dma_wait3A_91] : memref<2x4096xi32, #tpu.memory_space<vmem>> -> memref<1x4096xi32, #tpu.memory_space<vmem>>
      %dma_wait3A_93 = tpu.memref_squeeze %dma_wait3A_92 : memref<1x4096xi32, #tpu.memory_space<vmem>> -> memref<4096xi32, #tpu.memory_space<vmem>>
      %dma_wait3A_94 = arith.constant 0 : i32
      %dma_wait3A_95 = tpu.memref_slice %arg3[%mul3A_32, %dma_wait3A_94] : memref<200x4096xi32, #tpu.memory_space<hbm>> -> memref<1x4096xi32, #tpu.memory_space<hbm>>
      %dma_wait3A_96 = tpu.memref_squeeze %dma_wait3A_95 : memref<1x4096xi32, #tpu.memory_space<hbm>> -> memref<4096xi32, #tpu.memory_space<hbm>>
      %dma_wait3A_97 = arith.constant 0 : i32
      %dma_wait3A_98 = tpu.memref_slice %arg6[%dma_wait3A_90, %dma_wait3A_97] : memref<2x4096xi32, #tpu.memory_space<vmem>> -> memref<1x4096xi32, #tpu.memory_space<vmem>>
      %dma_wait3A_99 = tpu.memref_squeeze %dma_wait3A_98 : memref<1x4096xi32, #tpu.memory_space<vmem>> -> memref<4096xi32, #tpu.memory_space<vmem>>
      %dma_wait3A_100 = arith.constant 0 : i32
      %dma_wait3A_101 = tpu.memref_slice %arg3[%mul3A_32, %dma_wait3A_100] : memref<200x4096xi32, #tpu.memory_space<hbm>> -> memref<1x4096xi32, #tpu.memory_space<hbm>>
      %dma_wait3A_102 = tpu.memref_squeeze %dma_wait3A_101 : memref<1x4096xi32, #tpu.memory_space<hbm>> -> memref<4096xi32, #tpu.memory_space<hbm>>
      tpu.wait_dma2 semaphore(%arg9 : memref<!tpu.dma_semaphore, #tpu.memory_space<semaphore_mem>>) src(%dma_wait3A_102 : memref<4096xi32, #tpu.memory_space<hbm>>) dst(%dma_wait3A_99 : memref<4096xi32, #tpu.memory_space<vmem>>)
      %add3A_103 = arith.constant 1 : i32
      %add3A_104 = arith.addi %scan3A_86, %add3A_103 : i32
      %lt3A_105 = arith.constant 50 : i32
      %lt3A_106 = arith.cmpi slt, %add3A_104, %lt3A_105 : i32
      %convert_element_type3A = arith.extui %lt3A_106 : i1 to i32
      %cond3A = arith.constant 0 : i32
      %cond3A_107 = arith.cmpi ne, %convert_element_type3A, %cond3A : i32
      scf.if %cond3A_107 {
        %add3A_149 = arith.constant 1 : i32
        %add3A_150 = arith.addi %add3A_87, %add3A_149 : i32
        %sub3A_151 = arith.constant 1 : i32
        %sub3A_152 = arith.subi %sub3A_151, %rem3A_89 : i32
        %dma_start3A_153 = arith.constant 0 : i32
        %dma_start3A_154 = tpu.memref_slice %arg6[%sub3A_152, %dma_start3A_153] : memref<2x4096xi32, #tpu.memory_space<vmem>> -> memref<1x4096xi32, #tpu.memory_space<vmem>>
        %dma_start3A_155 = tpu.memref_squeeze %dma_start3A_154 : memref<1x4096xi32, #tpu.memory_space<vmem>> -> memref<4096xi32, #tpu.memory_space<vmem>>
        %dma_start3A_156 = arith.constant 0 : i32
        %dma_start3A_157 = tpu.memref_slice %arg3[%add3A_150, %dma_start3A_156] : memref<200x4096xi32, #tpu.memory_space<hbm>> -> memref<1x4096xi32, #tpu.memory_space<hbm>>
        %dma_start3A_158 = tpu.memref_squeeze %dma_start3A_157 : memref<1x4096xi32, #tpu.memory_space<hbm>> -> memref<4096xi32, #tpu.memory_space<hbm>>
        %dma_start3A_159 = arith.constant 0 : i32
        %dma_start3A_160 = tpu.memref_slice %arg6[%sub3A_152, %dma_start3A_159] : memref<2x4096xi32, #tpu.memory_space<vmem>> -> memref<1x4096xi32, #tpu.memory_space<vmem>>
        %dma_start3A_161 = tpu.memref_squeeze %dma_start3A_160 : memref<1x4096xi32, #tpu.memory_space<vmem>> -> memref<4096xi32, #tpu.memory_space<vmem>>
        %dma_start3A_162 = arith.constant 0 : i32
        %dma_start3A_163 = tpu.memref_slice %arg3[%add3A_150, %dma_start3A_162] : memref<200x4096xi32, #tpu.memory_space<hbm>> -> memref<1x4096xi32, #tpu.memory_space<hbm>>
        %dma_start3A_164 = tpu.memref_squeeze %dma_start3A_163 : memref<1x4096xi32, #tpu.memory_space<hbm>> -> memref<4096xi32, #tpu.memory_space<hbm>>
        tpu.enqueue_dma source(%dma_start3A_164 : memref<4096xi32, #tpu.memory_space<hbm>>) target(%dma_start3A_161 : memref<4096xi32, #tpu.memory_space<vmem>>) target_semaphore(%arg9 : memref<!tpu.dma_semaphore, #tpu.memory_space<semaphore_mem>>)
      } else {
      }
      %gt3A = arith.constant 0 : i32
      %gt3A_108 = arith.cmpi sgt, %scan3A_86, %gt3A : i32
      %convert_element_type3A_109 = arith.extui %gt3A_108 : i1 to i32
      %cond3A_110 = arith.constant 0 : i32
      %cond3A_111 = arith.cmpi ne, %convert_element_type3A_109, %cond3A_110 : i32
      scf.if %cond3A_111 {
        %dma_wait3A_149 = arith.constant 0 : i32
        %dma_wait3A_150 = arith.constant 0 : i32
        %dma_wait3A_151 = arith.constant 0 : i32
        %dma_wait3A_152 = tpu.memref_slice %arg4[%add3A_87, %select_n3A, %dma_wait3A_149, %dma_wait3A_150, %dma_wait3A_151] : memref<200x8x32x8x128xf32, #tpu.memory_space<hbm>> -> memref<1x1x16x8x128xf32, #tpu.memory_space<hbm>>
        %dma_wait3A_153 = tpu.memref_squeeze %dma_wait3A_152 : memref<1x1x16x8x128xf32, #tpu.memory_space<hbm>> -> memref<16x8x128xf32, #tpu.memory_space<hbm>>
        %dma_wait3A_154 = arith.constant 0 : i32
        %dma_wait3A_155 = arith.constant 0 : i32
        %dma_wait3A_156 = arith.constant 0 : i32
        %dma_wait3A_157 = tpu.memref_slice %arg4[%add3A_87, %select_n3A, %dma_wait3A_154, %dma_wait3A_155, %dma_wait3A_156] : memref<200x8x32x8x128xf32, #tpu.memory_space<hbm>> -> memref<1x1x16x8x128xf32, #tpu.memory_space<hbm>>
        %dma_wait3A_158 = tpu.memref_squeeze %dma_wait3A_157 : memref<1x1x16x8x128xf32, #tpu.memory_space<hbm>> -> memref<16x8x128xf32, #tpu.memory_space<hbm>>
        tpu.wait_dma2 semaphore(%arg10 : memref<!tpu.dma_semaphore, #tpu.memory_space<semaphore_mem>>) src(%arg7 : memref<16x8x128xf32, #tpu.memory_space<vmem>>) dst(%dma_wait3A_158 : memref<16x8x128xf32, #tpu.memory_space<hbm>>)
      } else {
      }
      %scan3A_112 = arith.constant 0 : i32
      %scan3A_113 = arith.constant 0 : i32
      %scan3A_114 = arith.constant 16 : i32
      %scan3A_115 = arith.addi %scan3A_113, %scan3A_114 : i32
      %scan3A_116 = arith.constant 1 : i32
      scf.for %scan3A_149 = %scan3A_113 to %scan3A_115 step %scan3A_116  : i32 {
        %add3A_150 = arith.constant 0 : i32
        %add3A_151 = arith.addi %add3A_150, %scan3A_149 : i32
        %mul3A_152 = arith.constant 128 : i32
        %mul3A_153 = arith.muli %add3A_151, %mul3A_152 : i32
        %add3A_154 = arith.constant 0 : i32
        %add3A_155 = arith.addi %mul3A_153, %add3A_154 : i32
        %get3A = arith.index_cast %rem3A_89 : i32 to index
        %get3A_156 = arith.index_cast %add3A_155 : i32 to index
        %get3A_157 = tpu.vector_load %arg6[%get3A, %get3A_156] {strides = array<i32>} : memref<2x4096xi32, #tpu.memory_space<vmem>>, vector<16xi32>,
        %gather3A = tpu.vector_load_idx %arg5[%broadcast_in_dim3A_47, %get3A_157] : memref<8x8192xf32, #tpu.memory_space<vmem>>[vector<16xi32>, vector<16xi32>], vector<16xf32>,
        %gather3A_158 = tpu.vector_load_idx %arg5[%broadcast_in_dim3A_49, %get3A_157] : memref<8x8192xf32, #tpu.memory_space<vmem>>[vector<16xi32>, vector<16xi32>], vector<16xf32>,
        %gather3A_159 = tpu.vector_load_idx %arg5[%broadcast_in_dim3A_51, %get3A_157] : memref<8x8192xf32, #tpu.memory_space<vmem>>[vector<16xi32>, vector<16xi32>], vector<16xf32>,
        %gather3A_160 = tpu.vector_load_idx %arg5[%broadcast_in_dim3A_53, %get3A_157] : memref<8x8192xf32, #tpu.memory_space<vmem>>[vector<16xi32>, vector<16xi32>], vector<16xf32>,
        %gather3A_161 = tpu.vector_load_idx %arg5[%broadcast_in_dim3A_55, %get3A_157] : memref<8x8192xf32, #tpu.memory_space<vmem>>[vector<16xi32>, vector<16xi32>], vector<16xf32>,
        %gather3A_162 = tpu.vector_load_idx %arg5[%broadcast_in_dim3A_57, %get3A_157] : memref<8x8192xf32, #tpu.memory_space<vmem>>[vector<16xi32>, vector<16xi32>], vector<16xf32>,
        %gather3A_163 = tpu.vector_load_idx %arg5[%broadcast_in_dim3A_59, %get3A_157] : memref<8x8192xf32, #tpu.memory_space<vmem>>[vector<16xi32>, vector<16xi32>], vector<16xf32>,
        %gather3A_164 = tpu.vector_load_idx %arg5[%broadcast_in_dim3A_61, %get3A_157] : memref<8x8192xf32, #tpu.memory_space<vmem>>[vector<16xi32>, vector<16xi32>], vector<16xf32>,
        %mul3A_165 = arith.constant 128 : i32
        %mul3A_166 = arith.muli %add3A_151, %mul3A_165 : i32
        %add3A_167 = arith.constant 16 : i32
        %add3A_168 = arith.addi %mul3A_166, %add3A_167 : i32
        %get3A_169 = arith.index_cast %rem3A_89 : i32 to index
        %get3A_170 = arith.index_cast %add3A_168 : i32 to index
        %get3A_171 = tpu.vector_load %arg6[%get3A_169, %get3A_170] {strides = array<i32>} : memref<2x4096xi32, #tpu.memory_space<vmem>>, vector<16xi32>,
        %gather3A_172 = tpu.vector_load_idx %arg5[%broadcast_in_dim3A_47, %get3A_171] : memref<8x8192xf32, #tpu.memory_space<vmem>>[vector<16xi32>, vector<16xi32>], vector<16xf32>,
        %gather3A_173 = tpu.vector_load_idx %arg5[%broadcast_in_dim3A_49, %get3A_171] : memref<8x8192xf32, #tpu.memory_space<vmem>>[vector<16xi32>, vector<16xi32>], vector<16xf32>,
        %gather3A_174 = tpu.vector_load_idx %arg5[%broadcast_in_dim3A_51, %get3A_171] : memref<8x8192xf32, #tpu.memory_space<vmem>>[vector<16xi32>, vector<16xi32>], vector<16xf32>,
        %gather3A_175 = tpu.vector_load_idx %arg5[%broadcast_in_dim3A_53, %get3A_171] : memref<8x8192xf32, #tpu.memory_space<vmem>>[vector<16xi32>, vector<16xi32>], vector<16xf32>,
        %gather3A_176 = tpu.vector_load_idx %arg5[%broadcast_in_dim3A_55, %get3A_171] : memref<8x8192xf32, #tpu.memory_space<vmem>>[vector<16xi32>, vector<16xi32>], vector<16xf32>,
        %gather3A_177 = tpu.vector_load_idx %arg5[%broadcast_in_dim3A_57, %get3A_171] : memref<8x8192xf32, #tpu.memory_space<vmem>>[vector<16xi32>, vector<16xi32>], vector<16xf32>,
        %gather3A_178 = tpu.vector_load_idx %arg5[%broadcast_in_dim3A_59, %get3A_171] : memref<8x8192xf32, #tpu.memory_space<vmem>>[vector<16xi32>, vector<16xi32>], vector<16xf32>,
        %gather3A_179 = tpu.vector_load_idx %arg5[%broadcast_in_dim3A_61, %get3A_171] : memref<8x8192xf32, #tpu.memory_space<vmem>>[vector<16xi32>, vector<16xi32>], vector<16xf32>,
        %swap3A = arith.constant 0 : i32
        %swap3A_180 = arith.index_cast %scan3A_149 : i32 to index
        %swap3A_181 = arith.index_cast %swap3A : i32 to index
        %swap3A_182 = arith.constant 0 : index
        %swap3A_183 = tpu.vector_load %arg7[%swap3A_180, %swap3A_181, %swap3A_182] {strides = array<i32>} : memref<16x8x128xf32, #tpu.memory_space<vmem>>, vector<16xf32>,
        tpu.vector_store %arg7[%swap3A_180, %swap3A_181, %swap3A_182], %gather3A {strides = array<i32>} : memref<16x8x128xf32, #tpu.memory_space<vmem>>, vector<16xf32>,
        %swap3A_184 = arith.constant 1 : i32
        %swap3A_185 = arith.index_cast %scan3A_149 : i32 to index
        %swap3A_186 = arith.index_cast %swap3A_184 : i32 to index
        %swap3A_187 = arith.constant 0 : index
        %swap3A_188 = tpu.vector_load %arg7[%swap3A_185, %swap3A_186, %swap3A_187] {strides = array<i32>} : memref<16x8x128xf32, #tpu.memory_space<vmem>>, vector<16xf32>,
        tpu.vector_store %arg7[%swap3A_185, %swap3A_186, %swap3A_187], %gather3A_158 {strides = array<i32>} : memref<16x8x128xf32, #tpu.memory_space<vmem>>, vector<16xf32>,
        %swap3A_189 = arith.constant 2 : i32
        %swap3A_190 = arith.index_cast %scan3A_149 : i32 to index
        %swap3A_191 = arith.index_cast %swap3A_189 : i32 to index
        %swap3A_192 = arith.constant 0 : index
        %swap3A_193 = tpu.vector_load %arg7[%swap3A_190, %swap3A_191, %swap3A_192] {strides = array<i32>} : memref<16x8x128xf32, #tpu.memory_space<vmem>>, vector<16xf32>,
        tpu.vector_store %arg7[%swap3A_190, %swap3A_191, %swap3A_192], %gather3A_159 {strides = array<i32>} : memref<16x8x128xf32, #tpu.memory_space<vmem>>, vector<16xf32>,
        %swap3A_194 = arith.constant 3 : i32
        %swap3A_195 = arith.index_cast %scan3A_149 : i32 to index
        %swap3A_196 = arith.index_cast %swap3A_194 : i32 to index
        %swap3A_197 = arith.constant 0 : index
        %swap3A_198 = tpu.vector_load %arg7[%swap3A_195, %swap3A_196, %swap3A_197] {strides = array<i32>} : memref<16x8x128xf32, #tpu.memory_space<vmem>>, vector<16xf32>,
        tpu.vector_store %arg7[%swap3A_195, %swap3A_196, %swap3A_197], %gather3A_160 {strides = array<i32>} : memref<16x8x128xf32, #tpu.memory_space<vmem>>, vector<16xf32>,
        %swap3A_199 = arith.constant 4 : i32
        %swap3A_200 = arith.index_cast %scan3A_149 : i32 to index
        %swap3A_201 = arith.index_cast %swap3A_199 : i32 to index
        %swap3A_202 = arith.constant 0 : index
        %swap3A_203 = tpu.vector_load %arg7[%swap3A_200, %swap3A_201, %swap3A_202] {strides = array<i32>} : memref<16x8x128xf32, #tpu.memory_space<vmem>>, vector<16xf32>,
        tpu.vector_store %arg7[%swap3A_200, %swap3A_201, %swap3A_202], %gather3A_161 {strides = array<i32>} : memref<16x8x128xf32, #tpu.memory_space<vmem>>, vector<16xf32>,
        %swap3A_204 = arith.constant 5 : i32
        %swap3A_205 = arith.index_cast %scan3A_149 : i32 to index
        %swap3A_206 = arith.index_cast %swap3A_204 : i32 to index
        %swap3A_207 = arith.constant 0 : index
        %swap3A_208 = tpu.vector_load %arg7[%swap3A_205, %swap3A_206, %swap3A_207] {strides = array<i32>} : memref<16x8x128xf32, #tpu.memory_space<vmem>>, vector<16xf32>,
        tpu.vector_store %arg7[%swap3A_205, %swap3A_206, %swap3A_207], %gather3A_162 {strides = array<i32>} : memref<16x8x128xf32, #tpu.memory_space<vmem>>, vector<16xf32>,
        %swap3A_209 = arith.constant 6 : i32
        %swap3A_210 = arith.index_cast %scan3A_149 : i32 to index
        %swap3A_211 = arith.index_cast %swap3A_209 : i32 to index
        %swap3A_212 = arith.constant 0 : index
        %swap3A_213 = tpu.vector_load %arg7[%swap3A_210, %swap3A_211, %swap3A_212] {strides = array<i32>} : memref<16x8x128xf32, #tpu.memory_space<vmem>>, vector<16xf32>,
        tpu.vector_store %arg7[%swap3A_210, %swap3A_211, %swap3A_212], %gather3A_163 {strides = array<i32>} : memref<16x8x128xf32, #tpu.memory_space<vmem>>, vector<16xf32>,
        %swap3A_214 = arith.constant 7 : i32
        %swap3A_215 = arith.index_cast %scan3A_149 : i32 to index
        %swap3A_216 = arith.index_cast %swap3A_214 : i32 to index
        %swap3A_217 = arith.constant 0 : index
        %swap3A_218 = tpu.vector_load %arg7[%swap3A_215, %swap3A_216, %swap3A_217] {strides = array<i32>} : memref<16x8x128xf32, #tpu.memory_space<vmem>>, vector<16xf32>,
        tpu.vector_store %arg7[%swap3A_215, %swap3A_216, %swap3A_217], %gather3A_164 {strides = array<i32>} : memref<16x8x128xf32, #tpu.memory_space<vmem>>, vector<16xf32>,
        %mul3A_219 = arith.constant 128 : i32
        %mul3A_220 = arith.muli %add3A_151, %mul3A_219 : i32
        %add3A_221 = arith.constant 32 : i32
        %add3A_222 = arith.addi %mul3A_220, %add3A_221 : i32
        %get3A_223 = arith.index_cast %rem3A_89 : i32 to index
        %get3A_224 = arith.index_cast %add3A_222 : i32 to index
        %get3A_225 = tpu.vector_load %arg6[%get3A_223, %get3A_224] {strides = array<i32>} : memref<2x4096xi32, #tpu.memory_space<vmem>>, vector<16xi32>,
        %gather3A_226 = tpu.vector_load_idx %arg5[%broadcast_in_dim3A_47, %get3A_225] : memref<8x8192xf32, #tpu.memory_space<vmem>>[vector<16xi32>, vector<16xi32>], vector<16xf32>,
        %gather3A_227 = tpu.vector_load_idx %arg5[%broadcast_in_dim3A_49, %get3A_225] : memref<8x8192xf32, #tpu.memory_space<vmem>>[vector<16xi32>, vector<16xi32>], vector<16xf32>,
        %gather3A_228 = tpu.vector_load_idx %arg5[%broadcast_in_dim3A_51, %get3A_225] : memref<8x8192xf32, #tpu.memory_space<vmem>>[vector<16xi32>, vector<16xi32>], vector<16xf32>,
        %gather3A_229 = tpu.vector_load_idx %arg5[%broadcast_in_dim3A_53, %get3A_225] : memref<8x8192xf32, #tpu.memory_space<vmem>>[vector<16xi32>, vector<16xi32>], vector<16xf32>,
        %gather3A_230 = tpu.vector_load_idx %arg5[%broadcast_in_dim3A_55, %get3A_225] : memref<8x8192xf32, #tpu.memory_space<vmem>>[vector<16xi32>, vector<16xi32>], vector<16xf32>,
        %gather3A_231 = tpu.vector_load_idx %arg5[%broadcast_in_dim3A_57, %get3A_225] : memref<8x8192xf32, #tpu.memory_space<vmem>>[vector<16xi32>, vector<16xi32>], vector<16xf32>,
        %gather3A_232 = tpu.vector_load_idx %arg5[%broadcast_in_dim3A_59, %get3A_225] : memref<8x8192xf32, #tpu.memory_space<vmem>>[vector<16xi32>, vector<16xi32>], vector<16xf32>,
        %gather3A_233 = tpu.vector_load_idx %arg5[%broadcast_in_dim3A_61, %get3A_225] : memref<8x8192xf32, #tpu.memory_space<vmem>>[vector<16xi32>, vector<16xi32>], vector<16xf32>,
        %swap3A_234 = arith.constant 0 : i32
        %swap3A_235 = arith.index_cast %scan3A_149 : i32 to index
        %swap3A_236 = arith.index_cast %swap3A_234 : i32 to index
        %swap3A_237 = arith.constant 16 : index
        %swap3A_238 = tpu.vector_load %arg7[%swap3A_235, %swap3A_236, %swap3A_237] {strides = array<i32>} : memref<16x8x128xf32, #tpu.memory_space<vmem>>, vector<16xf32>,
        tpu.vector_store %arg7[%swap3A_235, %swap3A_236, %swap3A_237], %gather3A_172 {strides = array<i32>} : memref<16x8x128xf32, #tpu.memory_space<vmem>>, vector<16xf32>,
        %swap3A_239 = arith.constant 1 : i32
        %swap3A_240 = arith.index_cast %scan3A_149 : i32 to index
        %swap3A_241 = arith.index_cast %swap3A_239 : i32 to index
        %swap3A_242 = arith.constant 16 : index
        %swap3A_243 = tpu.vector_load %arg7[%swap3A_240, %swap3A_241, %swap3A_242] {strides = array<i32>} : memref<16x8x128xf32, #tpu.memory_space<vmem>>, vector<16xf32>,
        tpu.vector_store %arg7[%swap3A_240, %swap3A_241, %swap3A_242], %gather3A_173 {strides = array<i32>} : memref<16x8x128xf32, #tpu.memory_space<vmem>>, vector<16xf32>,
        %swap3A_244 = arith.constant 2 : i32
        %swap3A_245 = arith.index_cast %scan3A_149 : i32 to index
        %swap3A_246 = arith.index_cast %swap3A_244 : i32 to index
        %swap3A_247 = arith.constant 16 : index
        %swap3A_248 = tpu.vector_load %arg7[%swap3A_245, %swap3A_246, %swap3A_247] {strides = array<i32>} : memref<16x8x128xf32, #tpu.memory_space<vmem>>, vector<16xf32>,
        tpu.vector_store %arg7[%swap3A_245, %swap3A_246, %swap3A_247], %gather3A_174 {strides = array<i32>} : memref<16x8x128xf32, #tpu.memory_space<vmem>>, vector<16xf32>,
        %swap3A_249 = arith.constant 3 : i32
        %swap3A_250 = arith.index_cast %scan3A_149 : i32 to index
        %swap3A_251 = arith.index_cast %swap3A_249 : i32 to index
        %swap3A_252 = arith.constant 16 : index
        %swap3A_253 = tpu.vector_load %arg7[%swap3A_250, %swap3A_251, %swap3A_252] {strides = array<i32>} : memref<16x8x128xf32, #tpu.memory_space<vmem>>, vector<16xf32>,
        tpu.vector_store %arg7[%swap3A_250, %swap3A_251, %swap3A_252], %gather3A_175 {strides = array<i32>} : memref<16x8x128xf32, #tpu.memory_space<vmem>>, vector<16xf32>,
        %swap3A_254 = arith.constant 4 : i32
        %swap3A_255 = arith.index_cast %scan3A_149 : i32 to index
        %swap3A_256 = arith.index_cast %swap3A_254 : i32 to index
        %swap3A_257 = arith.constant 16 : index
        %swap3A_258 = tpu.vector_load %arg7[%swap3A_255, %swap3A_256, %swap3A_257] {strides = array<i32>} : memref<16x8x128xf32, #tpu.memory_space<vmem>>, vector<16xf32>,
        tpu.vector_store %arg7[%swap3A_255, %swap3A_256, %swap3A_257], %gather3A_176 {strides = array<i32>} : memref<16x8x128xf32, #tpu.memory_space<vmem>>, vector<16xf32>,
        %swap3A_259 = arith.constant 5 : i32
        %swap3A_260 = arith.index_cast %scan3A_149 : i32 to index
        %swap3A_261 = arith.index_cast %swap3A_259 : i32 to index
        %swap3A_262 = arith.constant 16 : index
        %swap3A_263 = tpu.vector_load %arg7[%swap3A_260, %swap3A_261, %swap3A_262] {strides = array<i32>} : memref<16x8x128xf32, #tpu.memory_space<vmem>>, vector<16xf32>,
        tpu.vector_store %arg7[%swap3A_260, %swap3A_261, %swap3A_262], %gather3A_177 {strides = array<i32>} : memref<16x8x128xf32, #tpu.memory_space<vmem>>, vector<16xf32>,
        %swap3A_264 = arith.constant 6 : i32
        %swap3A_265 = arith.index_cast %scan3A_149 : i32 to index
        %swap3A_266 = arith.index_cast %swap3A_264 : i32 to index
        %swap3A_267 = arith.constant 16 : index
        %swap3A_268 = tpu.vector_load %arg7[%swap3A_265, %swap3A_266, %swap3A_267] {strides = array<i32>} : memref<16x8x128xf32, #tpu.memory_space<vmem>>, vector<16xf32>,
        tpu.vector_store %arg7[%swap3A_265, %swap3A_266, %swap3A_267], %gather3A_178 {strides = array<i32>} : memref<16x8x128xf32, #tpu.memory_space<vmem>>, vector<16xf32>,
        %swap3A_269 = arith.constant 7 : i32
        %swap3A_270 = arith.index_cast %scan3A_149 : i32 to index
        %swap3A_271 = arith.index_cast %swap3A_269 : i32 to index
        %swap3A_272 = arith.constant 16 : index
        %swap3A_273 = tpu.vector_load %arg7[%swap3A_270, %swap3A_271, %swap3A_272] {strides = array<i32>} : memref<16x8x128xf32, #tpu.memory_space<vmem>>, vector<16xf32>,
        tpu.vector_store %arg7[%swap3A_270, %swap3A_271, %swap3A_272], %gather3A_179 {strides = array<i32>} : memref<16x8x128xf32, #tpu.memory_space<vmem>>, vector<16xf32>,
        %mul3A_274 = arith.constant 128 : i32
        %mul3A_275 = arith.muli %add3A_151, %mul3A_274 : i32
        %add3A_276 = arith.constant 48 : i32
        %add3A_277 = arith.addi %mul3A_275, %add3A_276 : i32
        %get3A_278 = arith.index_cast %rem3A_89 : i32 to index
        %get3A_279 = arith.index_cast %add3A_277 : i32 to index
        %get3A_280 = tpu.vector_load %arg6[%get3A_278, %get3A_279] {strides = array<i32>} : memref<2x4096xi32, #tpu.memory_space<vmem>>, vector<16xi32>,
        %gather3A_281 = tpu.vector_load_idx %arg5[%broadcast_in_dim3A_47, %get3A_280] : memref<8x8192xf32, #tpu.memory_space<vmem>>[vector<16xi32>, vector<16xi32>], vector<16xf32>,
        %gather3A_282 = tpu.vector_load_idx %arg5[%broadcast_in_dim3A_49, %get3A_280] : memref<8x8192xf32, #tpu.memory_space<vmem>>[vector<16xi32>, vector<16xi32>], vector<16xf32>,
        %gather3A_283 = tpu.vector_load_idx %arg5[%broadcast_in_dim3A_51, %get3A_280] : memref<8x8192xf32, #tpu.memory_space<vmem>>[vector<16xi32>, vector<16xi32>], vector<16xf32>,
        %gather3A_284 = tpu.vector_load_idx %arg5[%broadcast_in_dim3A_53, %get3A_280] : memref<8x8192xf32, #tpu.memory_space<vmem>>[vector<16xi32>, vector<16xi32>], vector<16xf32>,
        %gather3A_285 = tpu.vector_load_idx %arg5[%broadcast_in_dim3A_55, %get3A_280] : memref<8x8192xf32, #tpu.memory_space<vmem>>[vector<16xi32>, vector<16xi32>], vector<16xf32>,
        %gather3A_286 = tpu.vector_load_idx %arg5[%broadcast_in_dim3A_57, %get3A_280] : memref<8x8192xf32, #tpu.memory_space<vmem>>[vector<16xi32>, vector<16xi32>], vector<16xf32>,
        %gather3A_287 = tpu.vector_load_idx %arg5[%broadcast_in_dim3A_59, %get3A_280] : memref<8x8192xf32, #tpu.memory_space<vmem>>[vector<16xi32>, vector<16xi32>], vector<16xf32>,
        %gather3A_288 = tpu.vector_load_idx %arg5[%broadcast_in_dim3A_61, %get3A_280] : memref<8x8192xf32, #tpu.memory_space<vmem>>[vector<16xi32>, vector<16xi32>], vector<16xf32>,
        %swap3A_289 = arith.constant 0 : i32
        %swap3A_290 = arith.index_cast %scan3A_149 : i32 to index
        %swap3A_291 = arith.index_cast %swap3A_289 : i32 to index
        %swap3A_292 = arith.constant 32 : index
        %swap3A_293 = tpu.vector_load %arg7[%swap3A_290, %swap3A_291, %swap3A_292] {strides = array<i32>} : memref<16x8x128xf32, #tpu.memory_space<vmem>>, vector<16xf32>,
        tpu.vector_store %arg7[%swap3A_290, %swap3A_291, %swap3A_292], %gather3A_226 {strides = array<i32>} : memref<16x8x128xf32, #tpu.memory_space<vmem>>, vector<16xf32>,
        %swap3A_294 = arith.constant 1 : i32
        %swap3A_295 = arith.index_cast %scan3A_149 : i32 to index
        %swap3A_296 = arith.index_cast %swap3A_294 : i32 to index
        %swap3A_297 = arith.constant 32 : index
        %swap3A_298 = tpu.vector_load %arg7[%swap3A_295, %swap3A_296, %swap3A_297] {strides = array<i32>} : memref<16x8x128xf32, #tpu.memory_space<vmem>>, vector<16xf32>,
        tpu.vector_store %arg7[%swap3A_295, %swap3A_296, %swap3A_297], %gather3A_227 {strides = array<i32>} : memref<16x8x128xf32, #tpu.memory_space<vmem>>, vector<16xf32>,
        %swap3A_299 = arith.constant 2 : i32
        %swap3A_300 = arith.index_cast %scan3A_149 : i32 to index
        %swap3A_301 = arith.index_cast %swap3A_299 : i32 to index
        %swap3A_302 = arith.constant 32 : index
        %swap3A_303 = tpu.vector_load %arg7[%swap3A_300, %swap3A_301, %swap3A_302] {strides = array<i32>} : memref<16x8x128xf32, #tpu.memory_space<vmem>>, vector<16xf32>,
        tpu.vector_store %arg7[%swap3A_300, %swap3A_301, %swap3A_302], %gather3A_228 {strides = array<i32>} : memref<16x8x128xf32, #tpu.memory_space<vmem>>, vector<16xf32>,
        %swap3A_304 = arith.constant 3 : i32
        %swap3A_305 = arith.index_cast %scan3A_149 : i32 to index
        %swap3A_306 = arith.index_cast %swap3A_304 : i32 to index
        %swap3A_307 = arith.constant 32 : index
        %swap3A_308 = tpu.vector_load %arg7[%swap3A_305, %swap3A_306, %swap3A_307] {strides = array<i32>} : memref<16x8x128xf32, #tpu.memory_space<vmem>>, vector<16xf32>,
        tpu.vector_store %arg7[%swap3A_305, %swap3A_306, %swap3A_307], %gather3A_229 {strides = array<i32>} : memref<16x8x128xf32, #tpu.memory_space<vmem>>, vector<16xf32>,
        %swap3A_309 = arith.constant 4 : i32
        %swap3A_310 = arith.index_cast %scan3A_149 : i32 to index
        %swap3A_311 = arith.index_cast %swap3A_309 : i32 to index
        %swap3A_312 = arith.constant 32 : index
        %swap3A_313 = tpu.vector_load %arg7[%swap3A_310, %swap3A_311, %swap3A_312] {strides = array<i32>} : memref<16x8x128xf32, #tpu.memory_space<vmem>>, vector<16xf32>,
        tpu.vector_store %arg7[%swap3A_310, %swap3A_311, %swap3A_312], %gather3A_230 {strides = array<i32>} : memref<16x8x128xf32, #tpu.memory_space<vmem>>, vector<16xf32>,
        %swap3A_314 = arith.constant 5 : i32
        %swap3A_315 = arith.index_cast %scan3A_149 : i32 to index
        %swap3A_316 = arith.index_cast %swap3A_314 : i32 to index
        %swap3A_317 = arith.constant 32 : index
        %swap3A_318 = tpu.vector_load %arg7[%swap3A_315, %swap3A_316, %swap3A_317] {strides = array<i32>} : memref<16x8x128xf32, #tpu.memory_space<vmem>>, vector<16xf32>,
        tpu.vector_store %arg7[%swap3A_315, %swap3A_316, %swap3A_317], %gather3A_231 {strides = array<i32>} : memref<16x8x128xf32, #tpu.memory_space<vmem>>, vector<16xf32>,
        %swap3A_319 = arith.constant 6 : i32
        %swap3A_320 = arith.index_cast %scan3A_149 : i32 to index
        %swap3A_321 = arith.index_cast %swap3A_319 : i32 to index
        %swap3A_322 = arith.constant 32 : index
        %swap3A_323 = tpu.vector_load %arg7[%swap3A_320, %swap3A_321, %swap3A_322] {strides = array<i32>} : memref<16x8x128xf32, #tpu.memory_space<vmem>>, vector<16xf32>,
        tpu.vector_store %arg7[%swap3A_320, %swap3A_321, %swap3A_322], %gather3A_232 {strides = array<i32>} : memref<16x8x128xf32, #tpu.memory_space<vmem>>, vector<16xf32>,
        %swap3A_324 = arith.constant 7 : i32
        %swap3A_325 = arith.index_cast %scan3A_149 : i32 to index
        %swap3A_326 = arith.index_cast %swap3A_324 : i32 to index
        %swap3A_327 = arith.constant 32 : index
        %swap3A_328 = tpu.vector_load %arg7[%swap3A_325, %swap3A_326, %swap3A_327] {strides = array<i32>} : memref<16x8x128xf32, #tpu.memory_space<vmem>>, vector<16xf32>,
        tpu.vector_store %arg7[%swap3A_325, %swap3A_326, %swap3A_327], %gather3A_233 {strides = array<i32>} : memref<16x8x128xf32, #tpu.memory_space<vmem>>, vector<16xf32>,
        %mul3A_329 = arith.constant 128 : i32
        %mul3A_330 = arith.muli %add3A_151, %mul3A_329 : i32
        %add3A_331 = arith.constant 64 : i32
        %add3A_332 = arith.addi %mul3A_330, %add3A_331 : i32
        %get3A_333 = arith.index_cast %rem3A_89 : i32 to index
        %get3A_334 = arith.index_cast %add3A_332 : i32 to index
        %get3A_335 = tpu.vector_load %arg6[%get3A_333, %get3A_334] {strides = array<i32>} : memref<2x4096xi32, #tpu.memory_space<vmem>>, vector<16xi32>,
        %gather3A_336 = tpu.vector_load_idx %arg5[%broadcast_in_dim3A_47, %get3A_335] : memref<8x8192xf32, #tpu.memory_space<vmem>>[vector<16xi32>, vector<16xi32>], vector<16xf32>,
        %gather3A_337 = tpu.vector_load_idx %arg5[%broadcast_in_dim3A_49, %get3A_335] : memref<8x8192xf32, #tpu.memory_space<vmem>>[vector<16xi32>, vector<16xi32>], vector<16xf32>,
        %gather3A_338 = tpu.vector_load_idx %arg5[%broadcast_in_dim3A_51, %get3A_335] : memref<8x8192xf32, #tpu.memory_space<vmem>>[vector<16xi32>, vector<16xi32>], vector<16xf32>,
        %gather3A_339 = tpu.vector_load_idx %arg5[%broadcast_in_dim3A_53, %get3A_335] : memref<8x8192xf32, #tpu.memory_space<vmem>>[vector<16xi32>, vector<16xi32>], vector<16xf32>,
        %gather3A_340 = tpu.vector_load_idx %arg5[%broadcast_in_dim3A_55, %get3A_335] : memref<8x8192xf32, #tpu.memory_space<vmem>>[vector<16xi32>, vector<16xi32>], vector<16xf32>,
        %gather3A_341 = tpu.vector_load_idx %arg5[%broadcast_in_dim3A_57, %get3A_335] : memref<8x8192xf32, #tpu.memory_space<vmem>>[vector<16xi32>, vector<16xi32>], vector<16xf32>,
        %gather3A_342 = tpu.vector_load_idx %arg5[%broadcast_in_dim3A_59, %get3A_335] : memref<8x8192xf32, #tpu.memory_space<vmem>>[vector<16xi32>, vector<16xi32>], vector<16xf32>,
        %gather3A_343 = tpu.vector_load_idx %arg5[%broadcast_in_dim3A_61, %get3A_335] : memref<8x8192xf32, #tpu.memory_space<vmem>>[vector<16xi32>, vector<16xi32>], vector<16xf32>,
        %swap3A_344 = arith.constant 0 : i32
        %swap3A_345 = arith.index_cast %scan3A_149 : i32 to index
        %swap3A_346 = arith.index_cast %swap3A_344 : i32 to index
        %swap3A_347 = arith.constant 48 : index
        %swap3A_348 = tpu.vector_load %arg7[%swap3A_345, %swap3A_346, %swap3A_347] {strides = array<i32>} : memref<16x8x128xf32, #tpu.memory_space<vmem>>, vector<16xf32>,
        tpu.vector_store %arg7[%swap3A_345, %swap3A_346, %swap3A_347], %gather3A_281 {strides = array<i32>} : memref<16x8x128xf32, #tpu.memory_space<vmem>>, vector<16xf32>,
        %swap3A_349 = arith.constant 1 : i32
        %swap3A_350 = arith.index_cast %scan3A_149 : i32 to index
        %swap3A_351 = arith.index_cast %swap3A_349 : i32 to index
        %swap3A_352 = arith.constant 48 : index
        %swap3A_353 = tpu.vector_load %arg7[%swap3A_350, %swap3A_351, %swap3A_352] {strides = array<i32>} : memref<16x8x128xf32, #tpu.memory_space<vmem>>, vector<16xf32>,
        tpu.vector_store %arg7[%swap3A_350, %swap3A_351, %swap3A_352], %gather3A_282 {strides = array<i32>} : memref<16x8x128xf32, #tpu.memory_space<vmem>>, vector<16xf32>,
        %swap3A_354 = arith.constant 2 : i32
        %swap3A_355 = arith.index_cast %scan3A_149 : i32 to index
        %swap3A_356 = arith.index_cast %swap3A_354 : i32 to index
        %swap3A_357 = arith.constant 48 : index
        %swap3A_358 = tpu.vector_load %arg7[%swap3A_355, %swap3A_356, %swap3A_357] {strides = array<i32>} : memref<16x8x128xf32, #tpu.memory_space<vmem>>, vector<16xf32>,
        tpu.vector_store %arg7[%swap3A_355, %swap3A_356, %swap3A_357], %gather3A_283 {strides = array<i32>} : memref<16x8x128xf32, #tpu.memory_space<vmem>>, vector<16xf32>,
        %swap3A_359 = arith.constant 3 : i32
        %swap3A_360 = arith.index_cast %scan3A_149 : i32 to index
        %swap3A_361 = arith.index_cast %swap3A_359 : i32 to index
        %swap3A_362 = arith.constant 48 : index
        %swap3A_363 = tpu.vector_load %arg7[%swap3A_360, %swap3A_361, %swap3A_362] {strides = array<i32>} : memref<16x8x128xf32, #tpu.memory_space<vmem>>, vector<16xf32>,
        tpu.vector_store %arg7[%swap3A_360, %swap3A_361, %swap3A_362], %gather3A_284 {strides = array<i32>} : memref<16x8x128xf32, #tpu.memory_space<vmem>>, vector<16xf32>,
        %swap3A_364 = arith.constant 4 : i32
        %swap3A_365 = arith.index_cast %scan3A_149 : i32 to index
        %swap3A_366 = arith.index_cast %swap3A_364 : i32 to index
        %swap3A_367 = arith.constant 48 : index
        %swap3A_368 = tpu.vector_load %arg7[%swap3A_365, %swap3A_366, %swap3A_367] {strides = array<i32>} : memref<16x8x128xf32, #tpu.memory_space<vmem>>, vector<16xf32>,
        tpu.vector_store %arg7[%swap3A_365, %swap3A_366, %swap3A_367], %gather3A_285 {strides = array<i32>} : memref<16x8x128xf32, #tpu.memory_space<vmem>>, vector<16xf32>,
        %swap3A_369 = arith.constant 5 : i32
        %swap3A_370 = arith.index_cast %scan3A_149 : i32 to index
        %swap3A_371 = arith.index_cast %swap3A_369 : i32 to index
        %swap3A_372 = arith.constant 48 : index
        %swap3A_373 = tpu.vector_load %arg7[%swap3A_370, %swap3A_371, %swap3A_372] {strides = array<i32>} : memref<16x8x128xf32, #tpu.memory_space<vmem>>, vector<16xf32>,
        tpu.vector_store %arg7[%swap3A_370, %swap3A_371, %swap3A_372], %gather3A_286 {strides = array<i32>} : memref<16x8x128xf32, #tpu.memory_space<vmem>>, vector<16xf32>,
        %swap3A_374 = arith.constant 6 : i32
        %swap3A_375 = arith.index_cast %scan3A_149 : i32 to index
        %swap3A_376 = arith.index_cast %swap3A_374 : i32 to index
        %swap3A_377 = arith.constant 48 : index
        %swap3A_378 = tpu.vector_load %arg7[%swap3A_375, %swap3A_376, %swap3A_377] {strides = array<i32>} : memref<16x8x128xf32, #tpu.memory_space<vmem>>, vector<16xf32>,
        tpu.vector_store %arg7[%swap3A_375, %swap3A_376, %swap3A_377], %gather3A_287 {strides = array<i32>} : memref<16x8x128xf32, #tpu.memory_space<vmem>>, vector<16xf32>,
        %swap3A_379 = arith.constant 7 : i32
        %swap3A_380 = arith.index_cast %scan3A_149 : i32 to index
        %swap3A_381 = arith.index_cast %swap3A_379 : i32 to index
        %swap3A_382 = arith.constant 48 : index
        %swap3A_383 = tpu.vector_load %arg7[%swap3A_380, %swap3A_381, %swap3A_382] {strides = array<i32>} : memref<16x8x128xf32, #tpu.memory_space<vmem>>, vector<16xf32>,
        tpu.vector_store %arg7[%swap3A_380, %swap3A_381, %swap3A_382], %gather3A_288 {strides = array<i32>} : memref<16x8x128xf32, #tpu.memory_space<vmem>>, vector<16xf32>,
        %mul3A_384 = arith.constant 128 : i32
        %mul3A_385 = arith.muli %add3A_151, %mul3A_384 : i32
        %add3A_386 = arith.constant 80 : i32
        %add3A_387 = arith.addi %mul3A_385, %add3A_386 : i32
        %get3A_388 = arith.index_cast %rem3A_89 : i32 to index
        %get3A_389 = arith.index_cast %add3A_387 : i32 to index
        %get3A_390 = tpu.vector_load %arg6[%get3A_388, %get3A_389] {strides = array<i32>} : memref<2x4096xi32, #tpu.memory_space<vmem>>, vector<16xi32>,
        %gather3A_391 = tpu.vector_load_idx %arg5[%broadcast_in_dim3A_47, %get3A_390] : memref<8x8192xf32, #tpu.memory_space<vmem>>[vector<16xi32>, vector<16xi32>], vector<16xf32>,
        %gather3A_392 = tpu.vector_load_idx %arg5[%broadcast_in_dim3A_49, %get3A_390] : memref<8x8192xf32, #tpu.memory_space<vmem>>[vector<16xi32>, vector<16xi32>], vector<16xf32>,
        %gather3A_393 = tpu.vector_load_idx %arg5[%broadcast_in_dim3A_51, %get3A_390] : memref<8x8192xf32, #tpu.memory_space<vmem>>[vector<16xi32>, vector<16xi32>], vector<16xf32>,
        %gather3A_394 = tpu.vector_load_idx %arg5[%broadcast_in_dim3A_53, %get3A_390] : memref<8x8192xf32, #tpu.memory_space<vmem>>[vector<16xi32>, vector<16xi32>], vector<16xf32>,
        %gather3A_395 = tpu.vector_load_idx %arg5[%broadcast_in_dim3A_55, %get3A_390] : memref<8x8192xf32, #tpu.memory_space<vmem>>[vector<16xi32>, vector<16xi32>], vector<16xf32>,
        %gather3A_396 = tpu.vector_load_idx %arg5[%broadcast_in_dim3A_57, %get3A_390] : memref<8x8192xf32, #tpu.memory_space<vmem>>[vector<16xi32>, vector<16xi32>], vector<16xf32>,
        %gather3A_397 = tpu.vector_load_idx %arg5[%broadcast_in_dim3A_59, %get3A_390] : memref<8x8192xf32, #tpu.memory_space<vmem>>[vector<16xi32>, vector<16xi32>], vector<16xf32>,
        %gather3A_398 = tpu.vector_load_idx %arg5[%broadcast_in_dim3A_61, %get3A_390] : memref<8x8192xf32, #tpu.memory_space<vmem>>[vector<16xi32>, vector<16xi32>], vector<16xf32>,
        %swap3A_399 = arith.constant 0 : i32
        %swap3A_400 = arith.index_cast %scan3A_149 : i32 to index
        %swap3A_401 = arith.index_cast %swap3A_399 : i32 to index
        %swap3A_402 = arith.constant 64 : index
        %swap3A_403 = tpu.vector_load %arg7[%swap3A_400, %swap3A_401, %swap3A_402] {strides = array<i32>} : memref<16x8x128xf32, #tpu.memory_space<vmem>>, vector<16xf32>,
        tpu.vector_store %arg7[%swap3A_400, %swap3A_401, %swap3A_402], %gather3A_336 {strides = array<i32>} : memref<16x8x128xf32, #tpu.memory_space<vmem>>, vector<16xf32>,
        %swap3A_404 = arith.constant 1 : i32
        %swap3A_405 = arith.index_cast %scan3A_149 : i32 to index
        %swap3A_406 = arith.index_cast %swap3A_404 : i32 to index
        %swap3A_407 = arith.constant 64 : index
        %swap3A_408 = tpu.vector_load %arg7[%swap3A_405, %swap3A_406, %swap3A_407] {strides = array<i32>} : memref<16x8x128xf32, #tpu.memory_space<vmem>>, vector<16xf32>,
        tpu.vector_store %arg7[%swap3A_405, %swap3A_406, %swap3A_407], %gather3A_337 {strides = array<i32>} : memref<16x8x128xf32, #tpu.memory_space<vmem>>, vector<16xf32>,
        %swap3A_409 = arith.constant 2 : i32
        %swap3A_410 = arith.index_cast %scan3A_149 : i32 to index
        %swap3A_411 = arith.index_cast %swap3A_409 : i32 to index
        %swap3A_412 = arith.constant 64 : index
        %swap3A_413 = tpu.vector_load %arg7[%swap3A_410, %swap3A_411, %swap3A_412] {strides = array<i32>} : memref<16x8x128xf32, #tpu.memory_space<vmem>>, vector<16xf32>,
        tpu.vector_store %arg7[%swap3A_410, %swap3A_411, %swap3A_412], %gather3A_338 {strides = array<i32>} : memref<16x8x128xf32, #tpu.memory_space<vmem>>, vector<16xf32>,
        %swap3A_414 = arith.constant 3 : i32
        %swap3A_415 = arith.index_cast %scan3A_149 : i32 to index
        %swap3A_416 = arith.index_cast %swap3A_414 : i32 to index
        %swap3A_417 = arith.constant 64 : index
        %swap3A_418 = tpu.vector_load %arg7[%swap3A_415, %swap3A_416, %swap3A_417] {strides = array<i32>} : memref<16x8x128xf32, #tpu.memory_space<vmem>>, vector<16xf32>,
        tpu.vector_store %arg7[%swap3A_415, %swap3A_416, %swap3A_417], %gather3A_339 {strides = array<i32>} : memref<16x8x128xf32, #tpu.memory_space<vmem>>, vector<16xf32>,
        %swap3A_419 = arith.constant 4 : i32
        %swap3A_420 = arith.index_cast %scan3A_149 : i32 to index
        %swap3A_421 = arith.index_cast %swap3A_419 : i32 to index
        %swap3A_422 = arith.constant 64 : index
        %swap3A_423 = tpu.vector_load %arg7[%swap3A_420, %swap3A_421, %swap3A_422] {strides = array<i32>} : memref<16x8x128xf32, #tpu.memory_space<vmem>>, vector<16xf32>,
        tpu.vector_store %arg7[%swap3A_420, %swap3A_421, %swap3A_422], %gather3A_340 {strides = array<i32>} : memref<16x8x128xf32, #tpu.memory_space<vmem>>, vector<16xf32>,
        %swap3A_424 = arith.constant 5 : i32
        %swap3A_425 = arith.index_cast %scan3A_149 : i32 to index
        %swap3A_426 = arith.index_cast %swap3A_424 : i32 to index
        %swap3A_427 = arith.constant 64 : index
        %swap3A_428 = tpu.vector_load %arg7[%swap3A_425, %swap3A_426, %swap3A_427] {strides = array<i32>} : memref<16x8x128xf32, #tpu.memory_space<vmem>>, vector<16xf32>,
        tpu.vector_store %arg7[%swap3A_425, %swap3A_426, %swap3A_427], %gather3A_341 {strides = array<i32>} : memref<16x8x128xf32, #tpu.memory_space<vmem>>, vector<16xf32>,
        %swap3A_429 = arith.constant 6 : i32
        %swap3A_430 = arith.index_cast %scan3A_149 : i32 to index
        %swap3A_431 = arith.index_cast %swap3A_429 : i32 to index
        %swap3A_432 = arith.constant 64 : index
        %swap3A_433 = tpu.vector_load %arg7[%swap3A_430, %swap3A_431, %swap3A_432] {strides = array<i32>} : memref<16x8x128xf32, #tpu.memory_space<vmem>>, vector<16xf32>,
        tpu.vector_store %arg7[%swap3A_430, %swap3A_431, %swap3A_432], %gather3A_342 {strides = array<i32>} : memref<16x8x128xf32, #tpu.memory_space<vmem>>, vector<16xf32>,
        %swap3A_434 = arith.constant 7 : i32
        %swap3A_435 = arith.index_cast %scan3A_149 : i32 to index
        %swap3A_436 = arith.index_cast %swap3A_434 : i32 to index
        %swap3A_437 = arith.constant 64 : index
        %swap3A_438 = tpu.vector_load %arg7[%swap3A_435, %swap3A_436, %swap3A_437] {strides = array<i32>} : memref<16x8x128xf32, #tpu.memory_space<vmem>>, vector<16xf32>,
        tpu.vector_store %arg7[%swap3A_435, %swap3A_436, %swap3A_437], %gather3A_343 {strides = array<i32>} : memref<16x8x128xf32, #tpu.memory_space<vmem>>, vector<16xf32>,
        %mul3A_439 = arith.constant 128 : i32
        %mul3A_440 = arith.muli %add3A_151, %mul3A_439 : i32
        %add3A_441 = arith.constant 96 : i32
        %add3A_442 = arith.addi %mul3A_440, %add3A_441 : i32
        %get3A_443 = arith.index_cast %rem3A_89 : i32 to index
        %get3A_444 = arith.index_cast %add3A_442 : i32 to index
        %get3A_445 = tpu.vector_load %arg6[%get3A_443, %get3A_444] {strides = array<i32>} : memref<2x4096xi32, #tpu.memory_space<vmem>>, vector<16xi32>,
        %gather3A_446 = tpu.vector_load_idx %arg5[%broadcast_in_dim3A_47, %get3A_445] : memref<8x8192xf32, #tpu.memory_space<vmem>>[vector<16xi32>, vector<16xi32>], vector<16xf32>,
        %gather3A_447 = tpu.vector_load_idx %arg5[%broadcast_in_dim3A_49, %get3A_445] : memref<8x8192xf32, #tpu.memory_space<vmem>>[vector<16xi32>, vector<16xi32>], vector<16xf32>,
        %gather3A_448 = tpu.vector_load_idx %arg5[%broadcast_in_dim3A_51, %get3A_445] : memref<8x8192xf32, #tpu.memory_space<vmem>>[vector<16xi32>, vector<16xi32>], vector<16xf32>,
        %gather3A_449 = tpu.vector_load_idx %arg5[%broadcast_in_dim3A_53, %get3A_445] : memref<8x8192xf32, #tpu.memory_space<vmem>>[vector<16xi32>, vector<16xi32>], vector<16xf32>,
        %gather3A_450 = tpu.vector_load_idx %arg5[%broadcast_in_dim3A_55, %get3A_445] : memref<8x8192xf32, #tpu.memory_space<vmem>>[vector<16xi32>, vector<16xi32>], vector<16xf32>,
        %gather3A_451 = tpu.vector_load_idx %arg5[%broadcast_in_dim3A_57, %get3A_445] : memref<8x8192xf32, #tpu.memory_space<vmem>>[vector<16xi32>, vector<16xi32>], vector<16xf32>,
        %gather3A_452 = tpu.vector_load_idx %arg5[%broadcast_in_dim3A_59, %get3A_445] : memref<8x8192xf32, #tpu.memory_space<vmem>>[vector<16xi32>, vector<16xi32>], vector<16xf32>,
        %gather3A_453 = tpu.vector_load_idx %arg5[%broadcast_in_dim3A_61, %get3A_445] : memref<8x8192xf32, #tpu.memory_space<vmem>>[vector<16xi32>, vector<16xi32>], vector<16xf32>,
        %swap3A_454 = arith.constant 0 : i32
        %swap3A_455 = arith.index_cast %scan3A_149 : i32 to index
        %swap3A_456 = arith.index_cast %swap3A_454 : i32 to index
        %swap3A_457 = arith.constant 80 : index
        %swap3A_458 = tpu.vector_load %arg7[%swap3A_455, %swap3A_456, %swap3A_457] {strides = array<i32>} : memref<16x8x128xf32, #tpu.memory_space<vmem>>, vector<16xf32>,
        tpu.vector_store %arg7[%swap3A_455, %swap3A_456, %swap3A_457], %gather3A_391 {strides = array<i32>} : memref<16x8x128xf32, #tpu.memory_space<vmem>>, vector<16xf32>,
        %swap3A_459 = arith.constant 1 : i32
        %swap3A_460 = arith.index_cast %scan3A_149 : i32 to index
        %swap3A_461 = arith.index_cast %swap3A_459 : i32 to index
        %swap3A_462 = arith.constant 80 : index
        %swap3A_463 = tpu.vector_load %arg7[%swap3A_460, %swap3A_461, %swap3A_462] {strides = array<i32>} : memref<16x8x128xf32, #tpu.memory_space<vmem>>, vector<16xf32>,
        tpu.vector_store %arg7[%swap3A_460, %swap3A_461, %swap3A_462], %gather3A_392 {strides = array<i32>} : memref<16x8x128xf32, #tpu.memory_space<vmem>>, vector<16xf32>,
        %swap3A_464 = arith.constant 2 : i32
        %swap3A_465 = arith.index_cast %scan3A_149 : i32 to index
        %swap3A_466 = arith.index_cast %swap3A_464 : i32 to index
        %swap3A_467 = arith.constant 80 : index
        %swap3A_468 = tpu.vector_load %arg7[%swap3A_465, %swap3A_466, %swap3A_467] {strides = array<i32>} : memref<16x8x128xf32, #tpu.memory_space<vmem>>, vector<16xf32>,
        tpu.vector_store %arg7[%swap3A_465, %swap3A_466, %swap3A_467], %gather3A_393 {strides = array<i32>} : memref<16x8x128xf32, #tpu.memory_space<vmem>>, vector<16xf32>,
        %swap3A_469 = arith.constant 3 : i32
        %swap3A_470 = arith.index_cast %scan3A_149 : i32 to index
        %swap3A_471 = arith.index_cast %swap3A_469 : i32 to index
        %swap3A_472 = arith.constant 80 : index
        %swap3A_473 = tpu.vector_load %arg7[%swap3A_470, %swap3A_471, %swap3A_472] {strides = array<i32>} : memref<16x8x128xf32, #tpu.memory_space<vmem>>, vector<16xf32>,
        tpu.vector_store %arg7[%swap3A_470, %swap3A_471, %swap3A_472], %gather3A_394 {strides = array<i32>} : memref<16x8x128xf32, #tpu.memory_space<vmem>>, vector<16xf32>,
        %swap3A_474 = arith.constant 4 : i32
        %swap3A_475 = arith.index_cast %scan3A_149 : i32 to index
        %swap3A_476 = arith.index_cast %swap3A_474 : i32 to index
        %swap3A_477 = arith.constant 80 : index
        %swap3A_478 = tpu.vector_load %arg7[%swap3A_475, %swap3A_476, %swap3A_477] {strides = array<i32>} : memref<16x8x128xf32, #tpu.memory_space<vmem>>, vector<16xf32>,
        tpu.vector_store %arg7[%swap3A_475, %swap3A_476, %swap3A_477], %gather3A_395 {strides = array<i32>} : memref<16x8x128xf32, #tpu.memory_space<vmem>>, vector<16xf32>,
        %swap3A_479 = arith.constant 5 : i32
        %swap3A_480 = arith.index_cast %scan3A_149 : i32 to index
        %swap3A_481 = arith.index_cast %swap3A_479 : i32 to index
        %swap3A_482 = arith.constant 80 : index
        %swap3A_483 = tpu.vector_load %arg7[%swap3A_480, %swap3A_481, %swap3A_482] {strides = array<i32>} : memref<16x8x128xf32, #tpu.memory_space<vmem>>, vector<16xf32>,
        tpu.vector_store %arg7[%swap3A_480, %swap3A_481, %swap3A_482], %gather3A_396 {strides = array<i32>} : memref<16x8x128xf32, #tpu.memory_space<vmem>>, vector<16xf32>,
        %swap3A_484 = arith.constant 6 : i32
        %swap3A_485 = arith.index_cast %scan3A_149 : i32 to index
        %swap3A_486 = arith.index_cast %swap3A_484 : i32 to index
        %swap3A_487 = arith.constant 80 : index
        %swap3A_488 = tpu.vector_load %arg7[%swap3A_485, %swap3A_486, %swap3A_487] {strides = array<i32>} : memref<16x8x128xf32, #tpu.memory_space<vmem>>, vector<16xf32>,
        tpu.vector_store %arg7[%swap3A_485, %swap3A_486, %swap3A_487], %gather3A_397 {strides = array<i32>} : memref<16x8x128xf32, #tpu.memory_space<vmem>>, vector<16xf32>,
        %swap3A_489 = arith.constant 7 : i32
        %swap3A_490 = arith.index_cast %scan3A_149 : i32 to index
        %swap3A_491 = arith.index_cast %swap3A_489 : i32 to index
        %swap3A_492 = arith.constant 80 : index
        %swap3A_493 = tpu.vector_load %arg7[%swap3A_490, %swap3A_491, %swap3A_492] {strides = array<i32>} : memref<16x8x128xf32, #tpu.memory_space<vmem>>, vector<16xf32>,
        tpu.vector_store %arg7[%swap3A_490, %swap3A_491, %swap3A_492], %gather3A_398 {strides = array<i32>} : memref<16x8x128xf32, #tpu.memory_space<vmem>>, vector<16xf32>,
        %mul3A_494 = arith.constant 128 : i32
        %mul3A_495 = arith.muli %add3A_151, %mul3A_494 : i32
        %add3A_496 = arith.constant 112 : i32
        %add3A_497 = arith.addi %mul3A_495, %add3A_496 : i32
        %get3A_498 = arith.index_cast %rem3A_89 : i32 to index
        %get3A_499 = arith.index_cast %add3A_497 : i32 to index
        %get3A_500 = tpu.vector_load %arg6[%get3A_498, %get3A_499] {strides = array<i32>} : memref<2x4096xi32, #tpu.memory_space<vmem>>, vector<16xi32>,
        %gather3A_501 = tpu.vector_load_idx %arg5[%broadcast_in_dim3A_47, %get3A_500] : memref<8x8192xf32, #tpu.memory_space<vmem>>[vector<16xi32>, vector<16xi32>], vector<16xf32>,
        %gather3A_502 = tpu.vector_load_idx %arg5[%broadcast_in_dim3A_49, %get3A_500] : memref<8x8192xf32, #tpu.memory_space<vmem>>[vector<16xi32>, vector<16xi32>], vector<16xf32>,
        %gather3A_503 = tpu.vector_load_idx %arg5[%broadcast_in_dim3A_51, %get3A_500] : memref<8x8192xf32, #tpu.memory_space<vmem>>[vector<16xi32>, vector<16xi32>], vector<16xf32>,
        %gather3A_504 = tpu.vector_load_idx %arg5[%broadcast_in_dim3A_53, %get3A_500] : memref<8x8192xf32, #tpu.memory_space<vmem>>[vector<16xi32>, vector<16xi32>], vector<16xf32>,
        %gather3A_505 = tpu.vector_load_idx %arg5[%broadcast_in_dim3A_55, %get3A_500] : memref<8x8192xf32, #tpu.memory_space<vmem>>[vector<16xi32>, vector<16xi32>], vector<16xf32>,
        %gather3A_506 = tpu.vector_load_idx %arg5[%broadcast_in_dim3A_57, %get3A_500] : memref<8x8192xf32, #tpu.memory_space<vmem>>[vector<16xi32>, vector<16xi32>], vector<16xf32>,
        %gather3A_507 = tpu.vector_load_idx %arg5[%broadcast_in_dim3A_59, %get3A_500] : memref<8x8192xf32, #tpu.memory_space<vmem>>[vector<16xi32>, vector<16xi32>], vector<16xf32>,
        %gather3A_508 = tpu.vector_load_idx %arg5[%broadcast_in_dim3A_61, %get3A_500] : memref<8x8192xf32, #tpu.memory_space<vmem>>[vector<16xi32>, vector<16xi32>], vector<16xf32>,
        %swap3A_509 = arith.constant 0 : i32
        %swap3A_510 = arith.index_cast %scan3A_149 : i32 to index
        %swap3A_511 = arith.index_cast %swap3A_509 : i32 to index
        %swap3A_512 = arith.constant 96 : index
        %swap3A_513 = tpu.vector_load %arg7[%swap3A_510, %swap3A_511, %swap3A_512] {strides = array<i32>} : memref<16x8x128xf32, #tpu.memory_space<vmem>>, vector<16xf32>,
        tpu.vector_store %arg7[%swap3A_510, %swap3A_511, %swap3A_512], %gather3A_446 {strides = array<i32>} : memref<16x8x128xf32, #tpu.memory_space<vmem>>, vector<16xf32>,
        %swap3A_514 = arith.constant 1 : i32
        %swap3A_515 = arith.index_cast %scan3A_149 : i32 to index
        %swap3A_516 = arith.index_cast %swap3A_514 : i32 to index
        %swap3A_517 = arith.constant 96 : index
        %swap3A_518 = tpu.vector_load %arg7[%swap3A_515, %swap3A_516, %swap3A_517] {strides = array<i32>} : memref<16x8x128xf32, #tpu.memory_space<vmem>>, vector<16xf32>,
        tpu.vector_store %arg7[%swap3A_515, %swap3A_516, %swap3A_517], %gather3A_447 {strides = array<i32>} : memref<16x8x128xf32, #tpu.memory_space<vmem>>, vector<16xf32>,
        %swap3A_519 = arith.constant 2 : i32
        %swap3A_520 = arith.index_cast %scan3A_149 : i32 to index
        %swap3A_521 = arith.index_cast %swap3A_519 : i32 to index
        %swap3A_522 = arith.constant 96 : index
        %swap3A_523 = tpu.vector_load %arg7[%swap3A_520, %swap3A_521, %swap3A_522] {strides = array<i32>} : memref<16x8x128xf32, #tpu.memory_space<vmem>>, vector<16xf32>,
        tpu.vector_store %arg7[%swap3A_520, %swap3A_521, %swap3A_522], %gather3A_448 {strides = array<i32>} : memref<16x8x128xf32, #tpu.memory_space<vmem>>, vector<16xf32>,
        %swap3A_524 = arith.constant 3 : i32
        %swap3A_525 = arith.index_cast %scan3A_149 : i32 to index
        %swap3A_526 = arith.index_cast %swap3A_524 : i32 to index
        %swap3A_527 = arith.constant 96 : index
        %swap3A_528 = tpu.vector_load %arg7[%swap3A_525, %swap3A_526, %swap3A_527] {strides = array<i32>} : memref<16x8x128xf32, #tpu.memory_space<vmem>>, vector<16xf32>,
        tpu.vector_store %arg7[%swap3A_525, %swap3A_526, %swap3A_527], %gather3A_449 {strides = array<i32>} : memref<16x8x128xf32, #tpu.memory_space<vmem>>, vector<16xf32>,
        %swap3A_529 = arith.constant 4 : i32
        %swap3A_530 = arith.index_cast %scan3A_149 : i32 to index
        %swap3A_531 = arith.index_cast %swap3A_529 : i32 to index
        %swap3A_532 = arith.constant 96 : index
        %swap3A_533 = tpu.vector_load %arg7[%swap3A_530, %swap3A_531, %swap3A_532] {strides = array<i32>} : memref<16x8x128xf32, #tpu.memory_space<vmem>>, vector<16xf32>,
        tpu.vector_store %arg7[%swap3A_530, %swap3A_531, %swap3A_532], %gather3A_450 {strides = array<i32>} : memref<16x8x128xf32, #tpu.memory_space<vmem>>, vector<16xf32>,
        %swap3A_534 = arith.constant 5 : i32
        %swap3A_535 = arith.index_cast %scan3A_149 : i32 to index
        %swap3A_536 = arith.index_cast %swap3A_534 : i32 to index
        %swap3A_537 = arith.constant 96 : index
        %swap3A_538 = tpu.vector_load %arg7[%swap3A_535, %swap3A_536, %swap3A_537] {strides = array<i32>} : memref<16x8x128xf32, #tpu.memory_space<vmem>>, vector<16xf32>,
        tpu.vector_store %arg7[%swap3A_535, %swap3A_536, %swap3A_537], %gather3A_451 {strides = array<i32>} : memref<16x8x128xf32, #tpu.memory_space<vmem>>, vector<16xf32>,
        %swap3A_539 = arith.constant 6 : i32
        %swap3A_540 = arith.index_cast %scan3A_149 : i32 to index
        %swap3A_541 = arith.index_cast %swap3A_539 : i32 to index
        %swap3A_542 = arith.constant 96 : index
        %swap3A_543 = tpu.vector_load %arg7[%swap3A_540, %swap3A_541, %swap3A_542] {strides = array<i32>} : memref<16x8x128xf32, #tpu.memory_space<vmem>>, vector<16xf32>,
        tpu.vector_store %arg7[%swap3A_540, %swap3A_541, %swap3A_542], %gather3A_452 {strides = array<i32>} : memref<16x8x128xf32, #tpu.memory_space<vmem>>, vector<16xf32>,
        %swap3A_544 = arith.constant 7 : i32
        %swap3A_545 = arith.index_cast %scan3A_149 : i32 to index
        %swap3A_546 = arith.index_cast %swap3A_544 : i32 to index
        %swap3A_547 = arith.constant 96 : index
        %swap3A_548 = tpu.vector_load %arg7[%swap3A_545, %swap3A_546, %swap3A_547] {strides = array<i32>} : memref<16x8x128xf32, #tpu.memory_space<vmem>>, vector<16xf32>,
        tpu.vector_store %arg7[%swap3A_545, %swap3A_546, %swap3A_547], %gather3A_453 {strides = array<i32>} : memref<16x8x128xf32, #tpu.memory_space<vmem>>, vector<16xf32>,
        %swap3A_549 = arith.constant 0 : i32
        %swap3A_550 = arith.index_cast %scan3A_149 : i32 to index
        %swap3A_551 = arith.index_cast %swap3A_549 : i32 to index
        %swap3A_552 = arith.constant 112 : index
        %swap3A_553 = tpu.vector_load %arg7[%swap3A_550, %swap3A_551, %swap3A_552] {strides = array<i32>} : memref<16x8x128xf32, #tpu.memory_space<vmem>>, vector<16xf32>,
        tpu.vector_store %arg7[%swap3A_550, %swap3A_551, %swap3A_552], %gather3A_501 {strides = array<i32>} : memref<16x8x128xf32, #tpu.memory_space<vmem>>, vector<16xf32>,
        %swap3A_554 = arith.constant 1 : i32
        %swap3A_555 = arith.index_cast %scan3A_149 : i32 to index
        %swap3A_556 = arith.index_cast %swap3A_554 : i32 to index
        %swap3A_557 = arith.constant 112 : index
        %swap3A_558 = tpu.vector_load %arg7[%swap3A_555, %swap3A_556, %swap3A_557] {strides = array<i32>} : memref<16x8x128xf32, #tpu.memory_space<vmem>>, vector<16xf32>,
        tpu.vector_store %arg7[%swap3A_555, %swap3A_556, %swap3A_557], %gather3A_502 {strides = array<i32>} : memref<16x8x128xf32, #tpu.memory_space<vmem>>, vector<16xf32>,
        %swap3A_559 = arith.constant 2 : i32
        %swap3A_560 = arith.index_cast %scan3A_149 : i32 to index
        %swap3A_561 = arith.index_cast %swap3A_559 : i32 to index
        %swap3A_562 = arith.constant 112 : index
        %swap3A_563 = tpu.vector_load %arg7[%swap3A_560, %swap3A_561, %swap3A_562] {strides = array<i32>} : memref<16x8x128xf32, #tpu.memory_space<vmem>>, vector<16xf32>,
        tpu.vector_store %arg7[%swap3A_560, %swap3A_561, %swap3A_562], %gather3A_503 {strides = array<i32>} : memref<16x8x128xf32, #tpu.memory_space<vmem>>, vector<16xf32>,
        %swap3A_564 = arith.constant 3 : i32
        %swap3A_565 = arith.index_cast %scan3A_149 : i32 to index
        %swap3A_566 = arith.index_cast %swap3A_564 : i32 to index
        %swap3A_567 = arith.constant 112 : index
        %swap3A_568 = tpu.vector_load %arg7[%swap3A_565, %swap3A_566, %swap3A_567] {strides = array<i32>} : memref<16x8x128xf32, #tpu.memory_space<vmem>>, vector<16xf32>,
        tpu.vector_store %arg7[%swap3A_565, %swap3A_566, %swap3A_567], %gather3A_504 {strides = array<i32>} : memref<16x8x128xf32, #tpu.memory_space<vmem>>, vector<16xf32>,
        %swap3A_569 = arith.constant 4 : i32
        %swap3A_570 = arith.index_cast %scan3A_149 : i32 to index
        %swap3A_571 = arith.index_cast %swap3A_569 : i32 to index
        %swap3A_572 = arith.constant 112 : index
        %swap3A_573 = tpu.vector_load %arg7[%swap3A_570, %swap3A_571, %swap3A_572] {strides = array<i32>} : memref<16x8x128xf32, #tpu.memory_space<vmem>>, vector<16xf32>,
        tpu.vector_store %arg7[%swap3A_570, %swap3A_571, %swap3A_572], %gather3A_505 {strides = array<i32>} : memref<16x8x128xf32, #tpu.memory_space<vmem>>, vector<16xf32>,
        %swap3A_574 = arith.constant 5 : i32
        %swap3A_575 = arith.index_cast %scan3A_149 : i32 to index
        %swap3A_576 = arith.index_cast %swap3A_574 : i32 to index
        %swap3A_577 = arith.constant 112 : index
        %swap3A_578 = tpu.vector_load %arg7[%swap3A_575, %swap3A_576, %swap3A_577] {strides = array<i32>} : memref<16x8x128xf32, #tpu.memory_space<vmem>>, vector<16xf32>,
        tpu.vector_store %arg7[%swap3A_575, %swap3A_576, %swap3A_577], %gather3A_506 {strides = array<i32>} : memref<16x8x128xf32, #tpu.memory_space<vmem>>, vector<16xf32>,
        %swap3A_579 = arith.constant 6 : i32
        %swap3A_580 = arith.index_cast %scan3A_149 : i32 to index
        %swap3A_581 = arith.index_cast %swap3A_579 : i32 to index
        %swap3A_582 = arith.constant 112 : index
        %swap3A_583 = tpu.vector_load %arg7[%swap3A_580, %swap3A_581, %swap3A_582] {strides = array<i32>} : memref<16x8x128xf32, #tpu.memory_space<vmem>>, vector<16xf32>,
        tpu.vector_store %arg7[%swap3A_580, %swap3A_581, %swap3A_582], %gather3A_507 {strides = array<i32>} : memref<16x8x128xf32, #tpu.memory_space<vmem>>, vector<16xf32>,
        %swap3A_584 = arith.constant 7 : i32
        %swap3A_585 = arith.index_cast %scan3A_149 : i32 to index
        %swap3A_586 = arith.index_cast %swap3A_584 : i32 to index
        %swap3A_587 = arith.constant 112 : index
        %swap3A_588 = tpu.vector_load %arg7[%swap3A_585, %swap3A_586, %swap3A_587] {strides = array<i32>} : memref<16x8x128xf32, #tpu.memory_space<vmem>>, vector<16xf32>,
        tpu.vector_store %arg7[%swap3A_585, %swap3A_586, %swap3A_587], %gather3A_508 {strides = array<i32>} : memref<16x8x128xf32, #tpu.memory_space<vmem>>, vector<16xf32>,
      }
      %scan3A_117 = arith.constant 16 : i32
      %dma_start3A_118 = arith.constant 0 : i32
      %dma_start3A_119 = arith.constant 0 : i32
      %dma_start3A_120 = arith.constant 0 : i32
      %dma_start3A_121 = tpu.memref_slice %arg4[%add3A_87, %select_n3A, %dma_start3A_118, %dma_start3A_119, %dma_start3A_120] : memref<200x8x32x8x128xf32, #tpu.memory_space<hbm>> -> memref<1x1x16x8x128xf32, #tpu.memory_space<hbm>>
      %dma_start3A_122 = tpu.memref_squeeze %dma_start3A_121 : memref<1x1x16x8x128xf32, #tpu.memory_space<hbm>> -> memref<16x8x128xf32, #tpu.memory_space<hbm>>
      %dma_start3A_123 = arith.constant 0 : i32
      %dma_start3A_124 = arith.constant 0 : i32
      %dma_start3A_125 = arith.constant 0 : i32
      %dma_start3A_126 = tpu.memref_slice %arg4[%add3A_87, %select_n3A, %dma_start3A_123, %dma_start3A_124, %dma_start3A_125] : memref<200x8x32x8x128xf32, #tpu.memory_space<hbm>> -> memref<1x1x16x8x128xf32, #tpu.memory_space<hbm>>
      %dma_start3A_127 = tpu.memref_squeeze %dma_start3A_126 : memref<1x1x16x8x128xf32, #tpu.memory_space<hbm>> -> memref<16x8x128xf32, #tpu.memory_space<hbm>>
      tpu.enqueue_dma source(%arg7 : memref<16x8x128xf32, #tpu.memory_space<vmem>>) target(%dma_start3A_127 : memref<16x8x128xf32, #tpu.memory_space<hbm>>) target_semaphore(%arg10 : memref<!tpu.dma_semaphore, #tpu.memory_space<semaphore_mem>>)
      %gt3A_128 = arith.constant 0 : i32
      %gt3A_129 = arith.cmpi sgt, %scan3A_86, %gt3A_128 : i32
      %convert_element_type3A_130 = arith.extui %gt3A_129 : i1 to i32
      %cond3A_131 = arith.constant 0 : i32
      %cond3A_132 = arith.cmpi ne, %convert_element_type3A_130, %cond3A_131 : i32
      scf.if %cond3A_132 {
        %dma_wait3A_149 = arith.constant 16 : i32
        %dma_wait3A_150 = arith.constant 0 : i32
        %dma_wait3A_151 = arith.constant 0 : i32
        %dma_wait3A_152 = tpu.memref_slice %arg4[%add3A_87, %select_n3A, %dma_wait3A_149, %dma_wait3A_150, %dma_wait3A_151] : memref<200x8x32x8x128xf32, #tpu.memory_space<hbm>> -> memref<1x1x16x8x128xf32, #tpu.memory_space<hbm>>
        %dma_wait3A_153 = tpu.memref_squeeze %dma_wait3A_152 : memref<1x1x16x8x128xf32, #tpu.memory_space<hbm>> -> memref<16x8x128xf32, #tpu.memory_space<hbm>>
        %dma_wait3A_154 = arith.constant 16 : i32
        %dma_wait3A_155 = arith.constant 0 : i32
        %dma_wait3A_156 = arith.constant 0 : i32
        %dma_wait3A_157 = tpu.memref_slice %arg4[%add3A_87, %select_n3A, %dma_wait3A_154, %dma_wait3A_155, %dma_wait3A_156] : memref<200x8x32x8x128xf32, #tpu.memory_space<hbm>> -> memref<1x1x16x8x128xf32, #tpu.memory_space<hbm>>
        %dma_wait3A_158 = tpu.memref_squeeze %dma_wait3A_157 : memref<1x1x16x8x128xf32, #tpu.memory_space<hbm>> -> memref<16x8x128xf32, #tpu.memory_space<hbm>>
        tpu.wait_dma2 semaphore(%arg11 : memref<!tpu.dma_semaphore, #tpu.memory_space<semaphore_mem>>) src(%arg8 : memref<16x8x128xf32, #tpu.memory_space<vmem>>) dst(%dma_wait3A_158 : memref<16x8x128xf32, #tpu.memory_space<hbm>>)
      } else {
      }
      %scan3A_133 = arith.constant 0 : i32
      %scan3A_134 = arith.constant 0 : i32
      %scan3A_135 = arith.constant 16 : i32
      %scan3A_136 = arith.addi %scan3A_134, %scan3A_135 : i32
      %scan3A_137 = arith.constant 1 : i32
      scf.for %scan3A_149 = %scan3A_134 to %scan3A_136 step %scan3A_137  : i32 {
        %add3A_150 = arith.constant 16 : i32
        %add3A_151 = arith.addi %add3A_150, %scan3A_149 : i32
        %mul3A_152 = arith.constant 128 : i32
        %mul3A_153 = arith.muli %add3A_151, %mul3A_152 : i32
        %add3A_154 = arith.constant 0 : i32
        %add3A_155 = arith.addi %mul3A_153, %add3A_154 : i32
        %get3A = arith.index_cast %rem3A_89 : i32 to index
        %get3A_156 = arith.index_cast %add3A_155 : i32 to index
        %get3A_157 = tpu.vector_load %arg6[%get3A, %get3A_156] {strides = array<i32>} : memref<2x4096xi32, #tpu.memory_space<vmem>>, vector<16xi32>,
        %gather3A = tpu.vector_load_idx %arg5[%broadcast_in_dim3A_47, %get3A_157] : memref<8x8192xf32, #tpu.memory_space<vmem>>[vector<16xi32>, vector<16xi32>], vector<16xf32>,
        %gather3A_158 = tpu.vector_load_idx %arg5[%broadcast_in_dim3A_49, %get3A_157] : memref<8x8192xf32, #tpu.memory_space<vmem>>[vector<16xi32>, vector<16xi32>], vector<16xf32>,
        %gather3A_159 = tpu.vector_load_idx %arg5[%broadcast_in_dim3A_51, %get3A_157] : memref<8x8192xf32, #tpu.memory_space<vmem>>[vector<16xi32>, vector<16xi32>], vector<16xf32>,
        %gather3A_160 = tpu.vector_load_idx %arg5[%broadcast_in_dim3A_53, %get3A_157] : memref<8x8192xf32, #tpu.memory_space<vmem>>[vector<16xi32>, vector<16xi32>], vector<16xf32>,
        %gather3A_161 = tpu.vector_load_idx %arg5[%broadcast_in_dim3A_55, %get3A_157] : memref<8x8192xf32, #tpu.memory_space<vmem>>[vector<16xi32>, vector<16xi32>], vector<16xf32>,
        %gather3A_162 = tpu.vector_load_idx %arg5[%broadcast_in_dim3A_57, %get3A_157] : memref<8x8192xf32, #tpu.memory_space<vmem>>[vector<16xi32>, vector<16xi32>], vector<16xf32>,
        %gather3A_163 = tpu.vector_load_idx %arg5[%broadcast_in_dim3A_59, %get3A_157] : memref<8x8192xf32, #tpu.memory_space<vmem>>[vector<16xi32>, vector<16xi32>], vector<16xf32>,
        %gather3A_164 = tpu.vector_load_idx %arg5[%broadcast_in_dim3A_61, %get3A_157] : memref<8x8192xf32, #tpu.memory_space<vmem>>[vector<16xi32>, vector<16xi32>], vector<16xf32>,
        %mul3A_165 = arith.constant 128 : i32
        %mul3A_166 = arith.muli %add3A_151, %mul3A_165 : i32
        %add3A_167 = arith.constant 16 : i32
        %add3A_168 = arith.addi %mul3A_166, %add3A_167 : i32
        %get3A_169 = arith.index_cast %rem3A_89 : i32 to index
        %get3A_170 = arith.index_cast %add3A_168 : i32 to index
        %get3A_171 = tpu.vector_load %arg6[%get3A_169, %get3A_170] {strides = array<i32>} : memref<2x4096xi32, #tpu.memory_space<vmem>>, vector<16xi32>,
        %gather3A_172 = tpu.vector_load_idx %arg5[%broadcast_in_dim3A_47, %get3A_171] : memref<8x8192xf32, #tpu.memory_space<vmem>>[vector<16xi32>, vector<16xi32>], vector<16xf32>,
        %gather3A_173 = tpu.vector_load_idx %arg5[%broadcast_in_dim3A_49, %get3A_171] : memref<8x8192xf32, #tpu.memory_space<vmem>>[vector<16xi32>, vector<16xi32>], vector<16xf32>,
        %gather3A_174 = tpu.vector_load_idx %arg5[%broadcast_in_dim3A_51, %get3A_171] : memref<8x8192xf32, #tpu.memory_space<vmem>>[vector<16xi32>, vector<16xi32>], vector<16xf32>,
        %gather3A_175 = tpu.vector_load_idx %arg5[%broadcast_in_dim3A_53, %get3A_171] : memref<8x8192xf32, #tpu.memory_space<vmem>>[vector<16xi32>, vector<16xi32>], vector<16xf32>,
        %gather3A_176 = tpu.vector_load_idx %arg5[%broadcast_in_dim3A_55, %get3A_171] : memref<8x8192xf32, #tpu.memory_space<vmem>>[vector<16xi32>, vector<16xi32>], vector<16xf32>,
        %gather3A_177 = tpu.vector_load_idx %arg5[%broadcast_in_dim3A_57, %get3A_171] : memref<8x8192xf32, #tpu.memory_space<vmem>>[vector<16xi32>, vector<16xi32>], vector<16xf32>,
        %gather3A_178 = tpu.vector_load_idx %arg5[%broadcast_in_dim3A_59, %get3A_171] : memref<8x8192xf32, #tpu.memory_space<vmem>>[vector<16xi32>, vector<16xi32>], vector<16xf32>,
        %gather3A_179 = tpu.vector_load_idx %arg5[%broadcast_in_dim3A_61, %get3A_171] : memref<8x8192xf32, #tpu.memory_space<vmem>>[vector<16xi32>, vector<16xi32>], vector<16xf32>,
        %swap3A = arith.constant 0 : i32
        %swap3A_180 = arith.index_cast %scan3A_149 : i32 to index
        %swap3A_181 = arith.index_cast %swap3A : i32 to index
        %swap3A_182 = arith.constant 0 : index
        %swap3A_183 = tpu.vector_load %arg8[%swap3A_180, %swap3A_181, %swap3A_182] {strides = array<i32>} : memref<16x8x128xf32, #tpu.memory_space<vmem>>, vector<16xf32>,
        tpu.vector_store %arg8[%swap3A_180, %swap3A_181, %swap3A_182], %gather3A {strides = array<i32>} : memref<16x8x128xf32, #tpu.memory_space<vmem>>, vector<16xf32>,
        %swap3A_184 = arith.constant 1 : i32
        %swap3A_185 = arith.index_cast %scan3A_149 : i32 to index
        %swap3A_186 = arith.index_cast %swap3A_184 : i32 to index
        %swap3A_187 = arith.constant 0 : index
        %swap3A_188 = tpu.vector_load %arg8[%swap3A_185, %swap3A_186, %swap3A_187] {strides = array<i32>} : memref<16x8x128xf32, #tpu.memory_space<vmem>>, vector<16xf32>,
        tpu.vector_store %arg8[%swap3A_185, %swap3A_186, %swap3A_187], %gather3A_158 {strides = array<i32>} : memref<16x8x128xf32, #tpu.memory_space<vmem>>, vector<16xf32>,
        %swap3A_189 = arith.constant 2 : i32
        %swap3A_190 = arith.index_cast %scan3A_149 : i32 to index
        %swap3A_191 = arith.index_cast %swap3A_189 : i32 to index
        %swap3A_192 = arith.constant 0 : index
        %swap3A_193 = tpu.vector_load %arg8[%swap3A_190, %swap3A_191, %swap3A_192] {strides = array<i32>} : memref<16x8x128xf32, #tpu.memory_space<vmem>>, vector<16xf32>,
        tpu.vector_store %arg8[%swap3A_190, %swap3A_191, %swap3A_192], %gather3A_159 {strides = array<i32>} : memref<16x8x128xf32, #tpu.memory_space<vmem>>, vector<16xf32>,
        %swap3A_194 = arith.constant 3 : i32
        %swap3A_195 = arith.index_cast %scan3A_149 : i32 to index
        %swap3A_196 = arith.index_cast %swap3A_194 : i32 to index
        %swap3A_197 = arith.constant 0 : index
        %swap3A_198 = tpu.vector_load %arg8[%swap3A_195, %swap3A_196, %swap3A_197] {strides = array<i32>} : memref<16x8x128xf32, #tpu.memory_space<vmem>>, vector<16xf32>,
        tpu.vector_store %arg8[%swap3A_195, %swap3A_196, %swap3A_197], %gather3A_160 {strides = array<i32>} : memref<16x8x128xf32, #tpu.memory_space<vmem>>, vector<16xf32>,
        %swap3A_199 = arith.constant 4 : i32
        %swap3A_200 = arith.index_cast %scan3A_149 : i32 to index
        %swap3A_201 = arith.index_cast %swap3A_199 : i32 to index
        %swap3A_202 = arith.constant 0 : index
        %swap3A_203 = tpu.vector_load %arg8[%swap3A_200, %swap3A_201, %swap3A_202] {strides = array<i32>} : memref<16x8x128xf32, #tpu.memory_space<vmem>>, vector<16xf32>,
        tpu.vector_store %arg8[%swap3A_200, %swap3A_201, %swap3A_202], %gather3A_161 {strides = array<i32>} : memref<16x8x128xf32, #tpu.memory_space<vmem>>, vector<16xf32>,
        %swap3A_204 = arith.constant 5 : i32
        %swap3A_205 = arith.index_cast %scan3A_149 : i32 to index
        %swap3A_206 = arith.index_cast %swap3A_204 : i32 to index
        %swap3A_207 = arith.constant 0 : index
        %swap3A_208 = tpu.vector_load %arg8[%swap3A_205, %swap3A_206, %swap3A_207] {strides = array<i32>} : memref<16x8x128xf32, #tpu.memory_space<vmem>>, vector<16xf32>,
        tpu.vector_store %arg8[%swap3A_205, %swap3A_206, %swap3A_207], %gather3A_162 {strides = array<i32>} : memref<16x8x128xf32, #tpu.memory_space<vmem>>, vector<16xf32>,
        %swap3A_209 = arith.constant 6 : i32
        %swap3A_210 = arith.index_cast %scan3A_149 : i32 to index
        %swap3A_211 = arith.index_cast %swap3A_209 : i32 to index
        %swap3A_212 = arith.constant 0 : index
        %swap3A_213 = tpu.vector_load %arg8[%swap3A_210, %swap3A_211, %swap3A_212] {strides = array<i32>} : memref<16x8x128xf32, #tpu.memory_space<vmem>>, vector<16xf32>,
        tpu.vector_store %arg8[%swap3A_210, %swap3A_211, %swap3A_212], %gather3A_163 {strides = array<i32>} : memref<16x8x128xf32, #tpu.memory_space<vmem>>, vector<16xf32>,
        %swap3A_214 = arith.constant 7 : i32
        %swap3A_215 = arith.index_cast %scan3A_149 : i32 to index
        %swap3A_216 = arith.index_cast %swap3A_214 : i32 to index
        %swap3A_217 = arith.constant 0 : index
        %swap3A_218 = tpu.vector_load %arg8[%swap3A_215, %swap3A_216, %swap3A_217] {strides = array<i32>} : memref<16x8x128xf32, #tpu.memory_space<vmem>>, vector<16xf32>,
        tpu.vector_store %arg8[%swap3A_215, %swap3A_216, %swap3A_217], %gather3A_164 {strides = array<i32>} : memref<16x8x128xf32, #tpu.memory_space<vmem>>, vector<16xf32>,
        %mul3A_219 = arith.constant 128 : i32
        %mul3A_220 = arith.muli %add3A_151, %mul3A_219 : i32
        %add3A_221 = arith.constant 32 : i32
        %add3A_222 = arith.addi %mul3A_220, %add3A_221 : i32
        %get3A_223 = arith.index_cast %rem3A_89 : i32 to index
        %get3A_224 = arith.index_cast %add3A_222 : i32 to index
        %get3A_225 = tpu.vector_load %arg6[%get3A_223, %get3A_224] {strides = array<i32>} : memref<2x4096xi32, #tpu.memory_space<vmem>>, vector<16xi32>,
        %gather3A_226 = tpu.vector_load_idx %arg5[%broadcast_in_dim3A_47, %get3A_225] : memref<8x8192xf32, #tpu.memory_space<vmem>>[vector<16xi32>, vector<16xi32>], vector<16xf32>,
        %gather3A_227 = tpu.vector_load_idx %arg5[%broadcast_in_dim3A_49, %get3A_225] : memref<8x8192xf32, #tpu.memory_space<vmem>>[vector<16xi32>, vector<16xi32>], vector<16xf32>,
        %gather3A_228 = tpu.vector_load_idx %arg5[%broadcast_in_dim3A_51, %get3A_225] : memref<8x8192xf32, #tpu.memory_space<vmem>>[vector<16xi32>, vector<16xi32>], vector<16xf32>,
        %gather3A_229 = tpu.vector_load_idx %arg5[%broadcast_in_dim3A_53, %get3A_225] : memref<8x8192xf32, #tpu.memory_space<vmem>>[vector<16xi32>, vector<16xi32>], vector<16xf32>,
        %gather3A_230 = tpu.vector_load_idx %arg5[%broadcast_in_dim3A_55, %get3A_225] : memref<8x8192xf32, #tpu.memory_space<vmem>>[vector<16xi32>, vector<16xi32>], vector<16xf32>,
        %gather3A_231 = tpu.vector_load_idx %arg5[%broadcast_in_dim3A_57, %get3A_225] : memref<8x8192xf32, #tpu.memory_space<vmem>>[vector<16xi32>, vector<16xi32>], vector<16xf32>,
        %gather3A_232 = tpu.vector_load_idx %arg5[%broadcast_in_dim3A_59, %get3A_225] : memref<8x8192xf32, #tpu.memory_space<vmem>>[vector<16xi32>, vector<16xi32>], vector<16xf32>,
        %gather3A_233 = tpu.vector_load_idx %arg5[%broadcast_in_dim3A_61, %get3A_225] : memref<8x8192xf32, #tpu.memory_space<vmem>>[vector<16xi32>, vector<16xi32>], vector<16xf32>,
        %swap3A_234 = arith.constant 0 : i32
        %swap3A_235 = arith.index_cast %scan3A_149 : i32 to index
        %swap3A_236 = arith.index_cast %swap3A_234 : i32 to index
        %swap3A_237 = arith.constant 16 : index
        %swap3A_238 = tpu.vector_load %arg8[%swap3A_235, %swap3A_236, %swap3A_237] {strides = array<i32>} : memref<16x8x128xf32, #tpu.memory_space<vmem>>, vector<16xf32>,
        tpu.vector_store %arg8[%swap3A_235, %swap3A_236, %swap3A_237], %gather3A_172 {strides = array<i32>} : memref<16x8x128xf32, #tpu.memory_space<vmem>>, vector<16xf32>,
        %swap3A_239 = arith.constant 1 : i32
        %swap3A_240 = arith.index_cast %scan3A_149 : i32 to index
        %swap3A_241 = arith.index_cast %swap3A_239 : i32 to index
        %swap3A_242 = arith.constant 16 : index
        %swap3A_243 = tpu.vector_load %arg8[%swap3A_240, %swap3A_241, %swap3A_242] {strides = array<i32>} : memref<16x8x128xf32, #tpu.memory_space<vmem>>, vector<16xf32>,
        tpu.vector_store %arg8[%swap3A_240, %swap3A_241, %swap3A_242], %gather3A_173 {strides = array<i32>} : memref<16x8x128xf32, #tpu.memory_space<vmem>>, vector<16xf32>,
        %swap3A_244 = arith.constant 2 : i32
        %swap3A_245 = arith.index_cast %scan3A_149 : i32 to index
        %swap3A_246 = arith.index_cast %swap3A_244 : i32 to index
        %swap3A_247 = arith.constant 16 : index
        %swap3A_248 = tpu.vector_load %arg8[%swap3A_245, %swap3A_246, %swap3A_247] {strides = array<i32>} : memref<16x8x128xf32, #tpu.memory_space<vmem>>, vector<16xf32>,
        tpu.vector_store %arg8[%swap3A_245, %swap3A_246, %swap3A_247], %gather3A_174 {strides = array<i32>} : memref<16x8x128xf32, #tpu.memory_space<vmem>>, vector<16xf32>,
        %swap3A_249 = arith.constant 3 : i32
        %swap3A_250 = arith.index_cast %scan3A_149 : i32 to index
        %swap3A_251 = arith.index_cast %swap3A_249 : i32 to index
        %swap3A_252 = arith.constant 16 : index
        %swap3A_253 = tpu.vector_load %arg8[%swap3A_250, %swap3A_251, %swap3A_252] {strides = array<i32>} : memref<16x8x128xf32, #tpu.memory_space<vmem>>, vector<16xf32>,
        tpu.vector_store %arg8[%swap3A_250, %swap3A_251, %swap3A_252], %gather3A_175 {strides = array<i32>} : memref<16x8x128xf32, #tpu.memory_space<vmem>>, vector<16xf32>,
        %swap3A_254 = arith.constant 4 : i32
        %swap3A_255 = arith.index_cast %scan3A_149 : i32 to index
        %swap3A_256 = arith.index_cast %swap3A_254 : i32 to index
        %swap3A_257 = arith.constant 16 : index
        %swap3A_258 = tpu.vector_load %arg8[%swap3A_255, %swap3A_256, %swap3A_257] {strides = array<i32>} : memref<16x8x128xf32, #tpu.memory_space<vmem>>, vector<16xf32>,
        tpu.vector_store %arg8[%swap3A_255, %swap3A_256, %swap3A_257], %gather3A_176 {strides = array<i32>} : memref<16x8x128xf32, #tpu.memory_space<vmem>>, vector<16xf32>,
        %swap3A_259 = arith.constant 5 : i32
        %swap3A_260 = arith.index_cast %scan3A_149 : i32 to index
        %swap3A_261 = arith.index_cast %swap3A_259 : i32 to index
        %swap3A_262 = arith.constant 16 : index
        %swap3A_263 = tpu.vector_load %arg8[%swap3A_260, %swap3A_261, %swap3A_262] {strides = array<i32>} : memref<16x8x128xf32, #tpu.memory_space<vmem>>, vector<16xf32>,
        tpu.vector_store %arg8[%swap3A_260, %swap3A_261, %swap3A_262], %gather3A_177 {strides = array<i32>} : memref<16x8x128xf32, #tpu.memory_space<vmem>>, vector<16xf32>,
        %swap3A_264 = arith.constant 6 : i32
        %swap3A_265 = arith.index_cast %scan3A_149 : i32 to index
        %swap3A_266 = arith.index_cast %swap3A_264 : i32 to index
        %swap3A_267 = arith.constant 16 : index
        %swap3A_268 = tpu.vector_load %arg8[%swap3A_265, %swap3A_266, %swap3A_267] {strides = array<i32>} : memref<16x8x128xf32, #tpu.memory_space<vmem>>, vector<16xf32>,
        tpu.vector_store %arg8[%swap3A_265, %swap3A_266, %swap3A_267], %gather3A_178 {strides = array<i32>} : memref<16x8x128xf32, #tpu.memory_space<vmem>>, vector<16xf32>,
        %swap3A_269 = arith.constant 7 : i32
        %swap3A_270 = arith.index_cast %scan3A_149 : i32 to index
        %swap3A_271 = arith.index_cast %swap3A_269 : i32 to index
        %swap3A_272 = arith.constant 16 : index
        %swap3A_273 = tpu.vector_load %arg8[%swap3A_270, %swap3A_271, %swap3A_272] {strides = array<i32>} : memref<16x8x128xf32, #tpu.memory_space<vmem>>, vector<16xf32>,
        tpu.vector_store %arg8[%swap3A_270, %swap3A_271, %swap3A_272], %gather3A_179 {strides = array<i32>} : memref<16x8x128xf32, #tpu.memory_space<vmem>>, vector<16xf32>,
        %mul3A_274 = arith.constant 128 : i32
        %mul3A_275 = arith.muli %add3A_151, %mul3A_274 : i32
        %add3A_276 = arith.constant 48 : i32
        %add3A_277 = arith.addi %mul3A_275, %add3A_276 : i32
        %get3A_278 = arith.index_cast %rem3A_89 : i32 to index
        %get3A_279 = arith.index_cast %add3A_277 : i32 to index
        %get3A_280 = tpu.vector_load %arg6[%get3A_278, %get3A_279] {strides = array<i32>} : memref<2x4096xi32, #tpu.memory_space<vmem>>, vector<16xi32>,
        %gather3A_281 = tpu.vector_load_idx %arg5[%broadcast_in_dim3A_47, %get3A_280] : memref<8x8192xf32, #tpu.memory_space<vmem>>[vector<16xi32>, vector<16xi32>], vector<16xf32>,
        %gather3A_282 = tpu.vector_load_idx %arg5[%broadcast_in_dim3A_49, %get3A_280] : memref<8x8192xf32, #tpu.memory_space<vmem>>[vector<16xi32>, vector<16xi32>], vector<16xf32>,
        %gather3A_283 = tpu.vector_load_idx %arg5[%broadcast_in_dim3A_51, %get3A_280] : memref<8x8192xf32, #tpu.memory_space<vmem>>[vector<16xi32>, vector<16xi32>], vector<16xf32>,
        %gather3A_284 = tpu.vector_load_idx %arg5[%broadcast_in_dim3A_53, %get3A_280] : memref<8x8192xf32, #tpu.memory_space<vmem>>[vector<16xi32>, vector<16xi32>], vector<16xf32>,
        %gather3A_285 = tpu.vector_load_idx %arg5[%broadcast_in_dim3A_55, %get3A_280] : memref<8x8192xf32, #tpu.memory_space<vmem>>[vector<16xi32>, vector<16xi32>], vector<16xf32>,
        %gather3A_286 = tpu.vector_load_idx %arg5[%broadcast_in_dim3A_57, %get3A_280] : memref<8x8192xf32, #tpu.memory_space<vmem>>[vector<16xi32>, vector<16xi32>], vector<16xf32>,
        %gather3A_287 = tpu.vector_load_idx %arg5[%broadcast_in_dim3A_59, %get3A_280] : memref<8x8192xf32, #tpu.memory_space<vmem>>[vector<16xi32>, vector<16xi32>], vector<16xf32>,
        %gather3A_288 = tpu.vector_load_idx %arg5[%broadcast_in_dim3A_61, %get3A_280] : memref<8x8192xf32, #tpu.memory_space<vmem>>[vector<16xi32>, vector<16xi32>], vector<16xf32>,
        %swap3A_289 = arith.constant 0 : i32
        %swap3A_290 = arith.index_cast %scan3A_149 : i32 to index
        %swap3A_291 = arith.index_cast %swap3A_289 : i32 to index
        %swap3A_292 = arith.constant 32 : index
        %swap3A_293 = tpu.vector_load %arg8[%swap3A_290, %swap3A_291, %swap3A_292] {strides = array<i32>} : memref<16x8x128xf32, #tpu.memory_space<vmem>>, vector<16xf32>,
        tpu.vector_store %arg8[%swap3A_290, %swap3A_291, %swap3A_292], %gather3A_226 {strides = array<i32>} : memref<16x8x128xf32, #tpu.memory_space<vmem>>, vector<16xf32>,
        %swap3A_294 = arith.constant 1 : i32
        %swap3A_295 = arith.index_cast %scan3A_149 : i32 to index
        %swap3A_296 = arith.index_cast %swap3A_294 : i32 to index
        %swap3A_297 = arith.constant 32 : index
        %swap3A_298 = tpu.vector_load %arg8[%swap3A_295, %swap3A_296, %swap3A_297] {strides = array<i32>} : memref<16x8x128xf32, #tpu.memory_space<vmem>>, vector<16xf32>,
        tpu.vector_store %arg8[%swap3A_295, %swap3A_296, %swap3A_297], %gather3A_227 {strides = array<i32>} : memref<16x8x128xf32, #tpu.memory_space<vmem>>, vector<16xf32>,
        %swap3A_299 = arith.constant 2 : i32
        %swap3A_300 = arith.index_cast %scan3A_149 : i32 to index
        %swap3A_301 = arith.index_cast %swap3A_299 : i32 to index
        %swap3A_302 = arith.constant 32 : index
        %swap3A_303 = tpu.vector_load %arg8[%swap3A_300, %swap3A_301, %swap3A_302] {strides = array<i32>} : memref<16x8x128xf32, #tpu.memory_space<vmem>>, vector<16xf32>,
        tpu.vector_store %arg8[%swap3A_300, %swap3A_301, %swap3A_302], %gather3A_228 {strides = array<i32>} : memref<16x8x128xf32, #tpu.memory_space<vmem>>, vector<16xf32>,
        %swap3A_304 = arith.constant 3 : i32
        %swap3A_305 = arith.index_cast %scan3A_149 : i32 to index
        %swap3A_306 = arith.index_cast %swap3A_304 : i32 to index
        %swap3A_307 = arith.constant 32 : index
        %swap3A_308 = tpu.vector_load %arg8[%swap3A_305, %swap3A_306, %swap3A_307] {strides = array<i32>} : memref<16x8x128xf32, #tpu.memory_space<vmem>>, vector<16xf32>,
        tpu.vector_store %arg8[%swap3A_305, %swap3A_306, %swap3A_307], %gather3A_229 {strides = array<i32>} : memref<16x8x128xf32, #tpu.memory_space<vmem>>, vector<16xf32>,
        %swap3A_309 = arith.constant 4 : i32
        %swap3A_310 = arith.index_cast %scan3A_149 : i32 to index
        %swap3A_311 = arith.index_cast %swap3A_309 : i32 to index
        %swap3A_312 = arith.constant 32 : index
        %swap3A_313 = tpu.vector_load %arg8[%swap3A_310, %swap3A_311, %swap3A_312] {strides = array<i32>} : memref<16x8x128xf32, #tpu.memory_space<vmem>>, vector<16xf32>,
        tpu.vector_store %arg8[%swap3A_310, %swap3A_311, %swap3A_312], %gather3A_230 {strides = array<i32>} : memref<16x8x128xf32, #tpu.memory_space<vmem>>, vector<16xf32>,
        %swap3A_314 = arith.constant 5 : i32
        %swap3A_315 = arith.index_cast %scan3A_149 : i32 to index
        %swap3A_316 = arith.index_cast %swap3A_314 : i32 to index
        %swap3A_317 = arith.constant 32 : index
        %swap3A_318 = tpu.vector_load %arg8[%swap3A_315, %swap3A_316, %swap3A_317] {strides = array<i32>} : memref<16x8x128xf32, #tpu.memory_space<vmem>>, vector<16xf32>,
        tpu.vector_store %arg8[%swap3A_315, %swap3A_316, %swap3A_317], %gather3A_231 {strides = array<i32>} : memref<16x8x128xf32, #tpu.memory_space<vmem>>, vector<16xf32>,
        %swap3A_319 = arith.constant 6 : i32
        %swap3A_320 = arith.index_cast %scan3A_149 : i32 to index
        %swap3A_321 = arith.index_cast %swap3A_319 : i32 to index
        %swap3A_322 = arith.constant 32 : index
        %swap3A_323 = tpu.vector_load %arg8[%swap3A_320, %swap3A_321, %swap3A_322] {strides = array<i32>} : memref<16x8x128xf32, #tpu.memory_space<vmem>>, vector<16xf32>,
        tpu.vector_store %arg8[%swap3A_320, %swap3A_321, %swap3A_322], %gather3A_232 {strides = array<i32>} : memref<16x8x128xf32, #tpu.memory_space<vmem>>, vector<16xf32>,
        %swap3A_324 = arith.constant 7 : i32
        %swap3A_325 = arith.index_cast %scan3A_149 : i32 to index
        %swap3A_326 = arith.index_cast %swap3A_324 : i32 to index
        %swap3A_327 = arith.constant 32 : index
        %swap3A_328 = tpu.vector_load %arg8[%swap3A_325, %swap3A_326, %swap3A_327] {strides = array<i32>} : memref<16x8x128xf32, #tpu.memory_space<vmem>>, vector<16xf32>,
        tpu.vector_store %arg8[%swap3A_325, %swap3A_326, %swap3A_327], %gather3A_233 {strides = array<i32>} : memref<16x8x128xf32, #tpu.memory_space<vmem>>, vector<16xf32>,
        %mul3A_329 = arith.constant 128 : i32
        %mul3A_330 = arith.muli %add3A_151, %mul3A_329 : i32
        %add3A_331 = arith.constant 64 : i32
        %add3A_332 = arith.addi %mul3A_330, %add3A_331 : i32
        %get3A_333 = arith.index_cast %rem3A_89 : i32 to index
        %get3A_334 = arith.index_cast %add3A_332 : i32 to index
        %get3A_335 = tpu.vector_load %arg6[%get3A_333, %get3A_334] {strides = array<i32>} : memref<2x4096xi32, #tpu.memory_space<vmem>>, vector<16xi32>,
        %gather3A_336 = tpu.vector_load_idx %arg5[%broadcast_in_dim3A_47, %get3A_335] : memref<8x8192xf32, #tpu.memory_space<vmem>>[vector<16xi32>, vector<16xi32>], vector<16xf32>,
        %gather3A_337 = tpu.vector_load_idx %arg5[%broadcast_in_dim3A_49, %get3A_335] : memref<8x8192xf32, #tpu.memory_space<vmem>>[vector<16xi32>, vector<16xi32>], vector<16xf32>,
        %gather3A_338 = tpu.vector_load_idx %arg5[%broadcast_in_dim3A_51, %get3A_335] : memref<8x8192xf32, #tpu.memory_space<vmem>>[vector<16xi32>, vector<16xi32>], vector<16xf32>,
        %gather3A_339 = tpu.vector_load_idx %arg5[%broadcast_in_dim3A_53, %get3A_335] : memref<8x8192xf32, #tpu.memory_space<vmem>>[vector<16xi32>, vector<16xi32>], vector<16xf32>,
        %gather3A_340 = tpu.vector_load_idx %arg5[%broadcast_in_dim3A_55, %get3A_335] : memref<8x8192xf32, #tpu.memory_space<vmem>>[vector<16xi32>, vector<16xi32>], vector<16xf32>,
        %gather3A_341 = tpu.vector_load_idx %arg5[%broadcast_in_dim3A_57, %get3A_335] : memref<8x8192xf32, #tpu.memory_space<vmem>>[vector<16xi32>, vector<16xi32>], vector<16xf32>,
        %gather3A_342 = tpu.vector_load_idx %arg5[%broadcast_in_dim3A_59, %get3A_335] : memref<8x8192xf32, #tpu.memory_space<vmem>>[vector<16xi32>, vector<16xi32>], vector<16xf32>,
        %gather3A_343 = tpu.vector_load_idx %arg5[%broadcast_in_dim3A_61, %get3A_335] : memref<8x8192xf32, #tpu.memory_space<vmem>>[vector<16xi32>, vector<16xi32>], vector<16xf32>,
        %swap3A_344 = arith.constant 0 : i32
        %swap3A_345 = arith.index_cast %scan3A_149 : i32 to index
        %swap3A_346 = arith.index_cast %swap3A_344 : i32 to index
        %swap3A_347 = arith.constant 48 : index
        %swap3A_348 = tpu.vector_load %arg8[%swap3A_345, %swap3A_346, %swap3A_347] {strides = array<i32>} : memref<16x8x128xf32, #tpu.memory_space<vmem>>, vector<16xf32>,
        tpu.vector_store %arg8[%swap3A_345, %swap3A_346, %swap3A_347], %gather3A_281 {strides = array<i32>} : memref<16x8x128xf32, #tpu.memory_space<vmem>>, vector<16xf32>,
        %swap3A_349 = arith.constant 1 : i32
        %swap3A_350 = arith.index_cast %scan3A_149 : i32 to index
        %swap3A_351 = arith.index_cast %swap3A_349 : i32 to index
        %swap3A_352 = arith.constant 48 : index
        %swap3A_353 = tpu.vector_load %arg8[%swap3A_350, %swap3A_351, %swap3A_352] {strides = array<i32>} : memref<16x8x128xf32, #tpu.memory_space<vmem>>, vector<16xf32>,
        tpu.vector_store %arg8[%swap3A_350, %swap3A_351, %swap3A_352], %gather3A_282 {strides = array<i32>} : memref<16x8x128xf32, #tpu.memory_space<vmem>>, vector<16xf32>,
        %swap3A_354 = arith.constant 2 : i32
        %swap3A_355 = arith.index_cast %scan3A_149 : i32 to index
        %swap3A_356 = arith.index_cast %swap3A_354 : i32 to index
        %swap3A_357 = arith.constant 48 : index
        %swap3A_358 = tpu.vector_load %arg8[%swap3A_355, %swap3A_356, %swap3A_357] {strides = array<i32>} : memref<16x8x128xf32, #tpu.memory_space<vmem>>, vector<16xf32>,
        tpu.vector_store %arg8[%swap3A_355, %swap3A_356, %swap3A_357], %gather3A_283 {strides = array<i32>} : memref<16x8x128xf32, #tpu.memory_space<vmem>>, vector<16xf32>,
        %swap3A_359 = arith.constant 3 : i32
        %swap3A_360 = arith.index_cast %scan3A_149 : i32 to index
        %swap3A_361 = arith.index_cast %swap3A_359 : i32 to index
        %swap3A_362 = arith.constant 48 : index
        %swap3A_363 = tpu.vector_load %arg8[%swap3A_360, %swap3A_361, %swap3A_362] {strides = array<i32>} : memref<16x8x128xf32, #tpu.memory_space<vmem>>, vector<16xf32>,
        tpu.vector_store %arg8[%swap3A_360, %swap3A_361, %swap3A_362], %gather3A_284 {strides = array<i32>} : memref<16x8x128xf32, #tpu.memory_space<vmem>>, vector<16xf32>,
        %swap3A_364 = arith.constant 4 : i32
        %swap3A_365 = arith.index_cast %scan3A_149 : i32 to index
        %swap3A_366 = arith.index_cast %swap3A_364 : i32 to index
        %swap3A_367 = arith.constant 48 : index
        %swap3A_368 = tpu.vector_load %arg8[%swap3A_365, %swap3A_366, %swap3A_367] {strides = array<i32>} : memref<16x8x128xf32, #tpu.memory_space<vmem>>, vector<16xf32>,
        tpu.vector_store %arg8[%swap3A_365, %swap3A_366, %swap3A_367], %gather3A_285 {strides = array<i32>} : memref<16x8x128xf32, #tpu.memory_space<vmem>>, vector<16xf32>,
        %swap3A_369 = arith.constant 5 : i32
        %swap3A_370 = arith.index_cast %scan3A_149 : i32 to index
        %swap3A_371 = arith.index_cast %swap3A_369 : i32 to index
        %swap3A_372 = arith.constant 48 : index
        %swap3A_373 = tpu.vector_load %arg8[%swap3A_370, %swap3A_371, %swap3A_372] {strides = array<i32>} : memref<16x8x128xf32, #tpu.memory_space<vmem>>, vector<16xf32>,
        tpu.vector_store %arg8[%swap3A_370, %swap3A_371, %swap3A_372], %gather3A_286 {strides = array<i32>} : memref<16x8x128xf32, #tpu.memory_space<vmem>>, vector<16xf32>,
        %swap3A_374 = arith.constant 6 : i32
        %swap3A_375 = arith.index_cast %scan3A_149 : i32 to index
        %swap3A_376 = arith.index_cast %swap3A_374 : i32 to index
        %swap3A_377 = arith.constant 48 : index
        %swap3A_378 = tpu.vector_load %arg8[%swap3A_375, %swap3A_376, %swap3A_377] {strides = array<i32>} : memref<16x8x128xf32, #tpu.memory_space<vmem>>, vector<16xf32>,
        tpu.vector_store %arg8[%swap3A_375, %swap3A_376, %swap3A_377], %gather3A_287 {strides = array<i32>} : memref<16x8x128xf32, #tpu.memory_space<vmem>>, vector<16xf32>,
        %swap3A_379 = arith.constant 7 : i32
        %swap3A_380 = arith.index_cast %scan3A_149 : i32 to index
        %swap3A_381 = arith.index_cast %swap3A_379 : i32 to index
        %swap3A_382 = arith.constant 48 : index
        %swap3A_383 = tpu.vector_load %arg8[%swap3A_380, %swap3A_381, %swap3A_382] {strides = array<i32>} : memref<16x8x128xf32, #tpu.memory_space<vmem>>, vector<16xf32>,
        tpu.vector_store %arg8[%swap3A_380, %swap3A_381, %swap3A_382], %gather3A_288 {strides = array<i32>} : memref<16x8x128xf32, #tpu.memory_space<vmem>>, vector<16xf32>,
        %mul3A_384 = arith.constant 128 : i32
        %mul3A_385 = arith.muli %add3A_151, %mul3A_384 : i32
        %add3A_386 = arith.constant 80 : i32
        %add3A_387 = arith.addi %mul3A_385, %add3A_386 : i32
        %get3A_388 = arith.index_cast %rem3A_89 : i32 to index
        %get3A_389 = arith.index_cast %add3A_387 : i32 to index
        %get3A_390 = tpu.vector_load %arg6[%get3A_388, %get3A_389] {strides = array<i32>} : memref<2x4096xi32, #tpu.memory_space<vmem>>, vector<16xi32>,
        %gather3A_391 = tpu.vector_load_idx %arg5[%broadcast_in_dim3A_47, %get3A_390] : memref<8x8192xf32, #tpu.memory_space<vmem>>[vector<16xi32>, vector<16xi32>], vector<16xf32>,
        %gather3A_392 = tpu.vector_load_idx %arg5[%broadcast_in_dim3A_49, %get3A_390] : memref<8x8192xf32, #tpu.memory_space<vmem>>[vector<16xi32>, vector<16xi32>], vector<16xf32>,
        %gather3A_393 = tpu.vector_load_idx %arg5[%broadcast_in_dim3A_51, %get3A_390] : memref<8x8192xf32, #tpu.memory_space<vmem>>[vector<16xi32>, vector<16xi32>], vector<16xf32>,
        %gather3A_394 = tpu.vector_load_idx %arg5[%broadcast_in_dim3A_53, %get3A_390] : memref<8x8192xf32, #tpu.memory_space<vmem>>[vector<16xi32>, vector<16xi32>], vector<16xf32>,
        %gather3A_395 = tpu.vector_load_idx %arg5[%broadcast_in_dim3A_55, %get3A_390] : memref<8x8192xf32, #tpu.memory_space<vmem>>[vector<16xi32>, vector<16xi32>], vector<16xf32>,
        %gather3A_396 = tpu.vector_load_idx %arg5[%broadcast_in_dim3A_57, %get3A_390] : memref<8x8192xf32, #tpu.memory_space<vmem>>[vector<16xi32>, vector<16xi32>], vector<16xf32>,
        %gather3A_397 = tpu.vector_load_idx %arg5[%broadcast_in_dim3A_59, %get3A_390] : memref<8x8192xf32, #tpu.memory_space<vmem>>[vector<16xi32>, vector<16xi32>], vector<16xf32>,
        %gather3A_398 = tpu.vector_load_idx %arg5[%broadcast_in_dim3A_61, %get3A_390] : memref<8x8192xf32, #tpu.memory_space<vmem>>[vector<16xi32>, vector<16xi32>], vector<16xf32>,
        %swap3A_399 = arith.constant 0 : i32
        %swap3A_400 = arith.index_cast %scan3A_149 : i32 to index
        %swap3A_401 = arith.index_cast %swap3A_399 : i32 to index
        %swap3A_402 = arith.constant 64 : index
        %swap3A_403 = tpu.vector_load %arg8[%swap3A_400, %swap3A_401, %swap3A_402] {strides = array<i32>} : memref<16x8x128xf32, #tpu.memory_space<vmem>>, vector<16xf32>,
        tpu.vector_store %arg8[%swap3A_400, %swap3A_401, %swap3A_402], %gather3A_336 {strides = array<i32>} : memref<16x8x128xf32, #tpu.memory_space<vmem>>, vector<16xf32>,
        %swap3A_404 = arith.constant 1 : i32
        %swap3A_405 = arith.index_cast %scan3A_149 : i32 to index
        %swap3A_406 = arith.index_cast %swap3A_404 : i32 to index
        %swap3A_407 = arith.constant 64 : index
        %swap3A_408 = tpu.vector_load %arg8[%swap3A_405, %swap3A_406, %swap3A_407] {strides = array<i32>} : memref<16x8x128xf32, #tpu.memory_space<vmem>>, vector<16xf32>,
        tpu.vector_store %arg8[%swap3A_405, %swap3A_406, %swap3A_407], %gather3A_337 {strides = array<i32>} : memref<16x8x128xf32, #tpu.memory_space<vmem>>, vector<16xf32>,
        %swap3A_409 = arith.constant 2 : i32
        %swap3A_410 = arith.index_cast %scan3A_149 : i32 to index
        %swap3A_411 = arith.index_cast %swap3A_409 : i32 to index
        %swap3A_412 = arith.constant 64 : index
        %swap3A_413 = tpu.vector_load %arg8[%swap3A_410, %swap3A_411, %swap3A_412] {strides = array<i32>} : memref<16x8x128xf32, #tpu.memory_space<vmem>>, vector<16xf32>,
        tpu.vector_store %arg8[%swap3A_410, %swap3A_411, %swap3A_412], %gather3A_338 {strides = array<i32>} : memref<16x8x128xf32, #tpu.memory_space<vmem>>, vector<16xf32>,
        %swap3A_414 = arith.constant 3 : i32
        %swap3A_415 = arith.index_cast %scan3A_149 : i32 to index
        %swap3A_416 = arith.index_cast %swap3A_414 : i32 to index
        %swap3A_417 = arith.constant 64 : index
        %swap3A_418 = tpu.vector_load %arg8[%swap3A_415, %swap3A_416, %swap3A_417] {strides = array<i32>} : memref<16x8x128xf32, #tpu.memory_space<vmem>>, vector<16xf32>,
        tpu.vector_store %arg8[%swap3A_415, %swap3A_416, %swap3A_417], %gather3A_339 {strides = array<i32>} : memref<16x8x128xf32, #tpu.memory_space<vmem>>, vector<16xf32>,
        %swap3A_419 = arith.constant 4 : i32
        %swap3A_420 = arith.index_cast %scan3A_149 : i32 to index
        %swap3A_421 = arith.index_cast %swap3A_419 : i32 to index
        %swap3A_422 = arith.constant 64 : index
        %swap3A_423 = tpu.vector_load %arg8[%swap3A_420, %swap3A_421, %swap3A_422] {strides = array<i32>} : memref<16x8x128xf32, #tpu.memory_space<vmem>>, vector<16xf32>,
        tpu.vector_store %arg8[%swap3A_420, %swap3A_421, %swap3A_422], %gather3A_340 {strides = array<i32>} : memref<16x8x128xf32, #tpu.memory_space<vmem>>, vector<16xf32>,
        %swap3A_424 = arith.constant 5 : i32
        %swap3A_425 = arith.index_cast %scan3A_149 : i32 to index
        %swap3A_426 = arith.index_cast %swap3A_424 : i32 to index
        %swap3A_427 = arith.constant 64 : index
        %swap3A_428 = tpu.vector_load %arg8[%swap3A_425, %swap3A_426, %swap3A_427] {strides = array<i32>} : memref<16x8x128xf32, #tpu.memory_space<vmem>>, vector<16xf32>,
        tpu.vector_store %arg8[%swap3A_425, %swap3A_426, %swap3A_427], %gather3A_341 {strides = array<i32>} : memref<16x8x128xf32, #tpu.memory_space<vmem>>, vector<16xf32>,
        %swap3A_429 = arith.constant 6 : i32
        %swap3A_430 = arith.index_cast %scan3A_149 : i32 to index
        %swap3A_431 = arith.index_cast %swap3A_429 : i32 to index
        %swap3A_432 = arith.constant 64 : index
        %swap3A_433 = tpu.vector_load %arg8[%swap3A_430, %swap3A_431, %swap3A_432] {strides = array<i32>} : memref<16x8x128xf32, #tpu.memory_space<vmem>>, vector<16xf32>,
        tpu.vector_store %arg8[%swap3A_430, %swap3A_431, %swap3A_432], %gather3A_342 {strides = array<i32>} : memref<16x8x128xf32, #tpu.memory_space<vmem>>, vector<16xf32>,
        %swap3A_434 = arith.constant 7 : i32
        %swap3A_435 = arith.index_cast %scan3A_149 : i32 to index
        %swap3A_436 = arith.index_cast %swap3A_434 : i32 to index
        %swap3A_437 = arith.constant 64 : index
        %swap3A_438 = tpu.vector_load %arg8[%swap3A_435, %swap3A_436, %swap3A_437] {strides = array<i32>} : memref<16x8x128xf32, #tpu.memory_space<vmem>>, vector<16xf32>,
        tpu.vector_store %arg8[%swap3A_435, %swap3A_436, %swap3A_437], %gather3A_343 {strides = array<i32>} : memref<16x8x128xf32, #tpu.memory_space<vmem>>, vector<16xf32>,
        %mul3A_439 = arith.constant 128 : i32
        %mul3A_440 = arith.muli %add3A_151, %mul3A_439 : i32
        %add3A_441 = arith.constant 96 : i32
        %add3A_442 = arith.addi %mul3A_440, %add3A_441 : i32
        %get3A_443 = arith.index_cast %rem3A_89 : i32 to index
        %get3A_444 = arith.index_cast %add3A_442 : i32 to index
        %get3A_445 = tpu.vector_load %arg6[%get3A_443, %get3A_444] {strides = array<i32>} : memref<2x4096xi32, #tpu.memory_space<vmem>>, vector<16xi32>,
        %gather3A_446 = tpu.vector_load_idx %arg5[%broadcast_in_dim3A_47, %get3A_445] : memref<8x8192xf32, #tpu.memory_space<vmem>>[vector<16xi32>, vector<16xi32>], vector<16xf32>,
        %gather3A_447 = tpu.vector_load_idx %arg5[%broadcast_in_dim3A_49, %get3A_445] : memref<8x8192xf32, #tpu.memory_space<vmem>>[vector<16xi32>, vector<16xi32>], vector<16xf32>,
        %gather3A_448 = tpu.vector_load_idx %arg5[%broadcast_in_dim3A_51, %get3A_445] : memref<8x8192xf32, #tpu.memory_space<vmem>>[vector<16xi32>, vector<16xi32>], vector<16xf32>,
        %gather3A_449 = tpu.vector_load_idx %arg5[%broadcast_in_dim3A_53, %get3A_445] : memref<8x8192xf32, #tpu.memory_space<vmem>>[vector<16xi32>, vector<16xi32>], vector<16xf32>,
        %gather3A_450 = tpu.vector_load_idx %arg5[%broadcast_in_dim3A_55, %get3A_445] : memref<8x8192xf32, #tpu.memory_space<vmem>>[vector<16xi32>, vector<16xi32>], vector<16xf32>,
        %gather3A_451 = tpu.vector_load_idx %arg5[%broadcast_in_dim3A_57, %get3A_445] : memref<8x8192xf32, #tpu.memory_space<vmem>>[vector<16xi32>, vector<16xi32>], vector<16xf32>,
        %gather3A_452 = tpu.vector_load_idx %arg5[%broadcast_in_dim3A_59, %get3A_445] : memref<8x8192xf32, #tpu.memory_space<vmem>>[vector<16xi32>, vector<16xi32>], vector<16xf32>,
        %gather3A_453 = tpu.vector_load_idx %arg5[%broadcast_in_dim3A_61, %get3A_445] : memref<8x8192xf32, #tpu.memory_space<vmem>>[vector<16xi32>, vector<16xi32>], vector<16xf32>,
        %swap3A_454 = arith.constant 0 : i32
        %swap3A_455 = arith.index_cast %scan3A_149 : i32 to index
        %swap3A_456 = arith.index_cast %swap3A_454 : i32 to index
        %swap3A_457 = arith.constant 80 : index
        %swap3A_458 = tpu.vector_load %arg8[%swap3A_455, %swap3A_456, %swap3A_457] {strides = array<i32>} : memref<16x8x128xf32, #tpu.memory_space<vmem>>, vector<16xf32>,
        tpu.vector_store %arg8[%swap3A_455, %swap3A_456, %swap3A_457], %gather3A_391 {strides = array<i32>} : memref<16x8x128xf32, #tpu.memory_space<vmem>>, vector<16xf32>,
        %swap3A_459 = arith.constant 1 : i32
        %swap3A_460 = arith.index_cast %scan3A_149 : i32 to index
        %swap3A_461 = arith.index_cast %swap3A_459 : i32 to index
        %swap3A_462 = arith.constant 80 : index
        %swap3A_463 = tpu.vector_load %arg8[%swap3A_460, %swap3A_461, %swap3A_462] {strides = array<i32>} : memref<16x8x128xf32, #tpu.memory_space<vmem>>, vector<16xf32>,
        tpu.vector_store %arg8[%swap3A_460, %swap3A_461, %swap3A_462], %gather3A_392 {strides = array<i32>} : memref<16x8x128xf32, #tpu.memory_space<vmem>>, vector<16xf32>,
        %swap3A_464 = arith.constant 2 : i32
        %swap3A_465 = arith.index_cast %scan3A_149 : i32 to index
        %swap3A_466 = arith.index_cast %swap3A_464 : i32 to index
        %swap3A_467 = arith.constant 80 : index
        %swap3A_468 = tpu.vector_load %arg8[%swap3A_465, %swap3A_466, %swap3A_467] {strides = array<i32>} : memref<16x8x128xf32, #tpu.memory_space<vmem>>, vector<16xf32>,
        tpu.vector_store %arg8[%swap3A_465, %swap3A_466, %swap3A_467], %gather3A_393 {strides = array<i32>} : memref<16x8x128xf32, #tpu.memory_space<vmem>>, vector<16xf32>,
        %swap3A_469 = arith.constant 3 : i32
        %swap3A_470 = arith.index_cast %scan3A_149 : i32 to index
        %swap3A_471 = arith.index_cast %swap3A_469 : i32 to index
        %swap3A_472 = arith.constant 80 : index
        %swap3A_473 = tpu.vector_load %arg8[%swap3A_470, %swap3A_471, %swap3A_472] {strides = array<i32>} : memref<16x8x128xf32, #tpu.memory_space<vmem>>, vector<16xf32>,
        tpu.vector_store %arg8[%swap3A_470, %swap3A_471, %swap3A_472], %gather3A_394 {strides = array<i32>} : memref<16x8x128xf32, #tpu.memory_space<vmem>>, vector<16xf32>,
        %swap3A_474 = arith.constant 4 : i32
        %swap3A_475 = arith.index_cast %scan3A_149 : i32 to index
        %swap3A_476 = arith.index_cast %swap3A_474 : i32 to index
        %swap3A_477 = arith.constant 80 : index
        %swap3A_478 = tpu.vector_load %arg8[%swap3A_475, %swap3A_476, %swap3A_477] {strides = array<i32>} : memref<16x8x128xf32, #tpu.memory_space<vmem>>, vector<16xf32>,
        tpu.vector_store %arg8[%swap3A_475, %swap3A_476, %swap3A_477], %gather3A_395 {strides = array<i32>} : memref<16x8x128xf32, #tpu.memory_space<vmem>>, vector<16xf32>,
        %swap3A_479 = arith.constant 5 : i32
        %swap3A_480 = arith.index_cast %scan3A_149 : i32 to index
        %swap3A_481 = arith.index_cast %swap3A_479 : i32 to index
        %swap3A_482 = arith.constant 80 : index
        %swap3A_483 = tpu.vector_load %arg8[%swap3A_480, %swap3A_481, %swap3A_482] {strides = array<i32>} : memref<16x8x128xf32, #tpu.memory_space<vmem>>, vector<16xf32>,
        tpu.vector_store %arg8[%swap3A_480, %swap3A_481, %swap3A_482], %gather3A_396 {strides = array<i32>} : memref<16x8x128xf32, #tpu.memory_space<vmem>>, vector<16xf32>,
        %swap3A_484 = arith.constant 6 : i32
        %swap3A_485 = arith.index_cast %scan3A_149 : i32 to index
        %swap3A_486 = arith.index_cast %swap3A_484 : i32 to index
        %swap3A_487 = arith.constant 80 : index
        %swap3A_488 = tpu.vector_load %arg8[%swap3A_485, %swap3A_486, %swap3A_487] {strides = array<i32>} : memref<16x8x128xf32, #tpu.memory_space<vmem>>, vector<16xf32>,
        tpu.vector_store %arg8[%swap3A_485, %swap3A_486, %swap3A_487], %gather3A_397 {strides = array<i32>} : memref<16x8x128xf32, #tpu.memory_space<vmem>>, vector<16xf32>,
        %swap3A_489 = arith.constant 7 : i32
        %swap3A_490 = arith.index_cast %scan3A_149 : i32 to index
        %swap3A_491 = arith.index_cast %swap3A_489 : i32 to index
        %swap3A_492 = arith.constant 80 : index
        %swap3A_493 = tpu.vector_load %arg8[%swap3A_490, %swap3A_491, %swap3A_492] {strides = array<i32>} : memref<16x8x128xf32, #tpu.memory_space<vmem>>, vector<16xf32>,
        tpu.vector_store %arg8[%swap3A_490, %swap3A_491, %swap3A_492], %gather3A_398 {strides = array<i32>} : memref<16x8x128xf32, #tpu.memory_space<vmem>>, vector<16xf32>,
        %mul3A_494 = arith.constant 128 : i32
        %mul3A_495 = arith.muli %add3A_151, %mul3A_494 : i32
        %add3A_496 = arith.constant 112 : i32
        %add3A_497 = arith.addi %mul3A_495, %add3A_496 : i32
        %get3A_498 = arith.index_cast %rem3A_89 : i32 to index
        %get3A_499 = arith.index_cast %add3A_497 : i32 to index
        %get3A_500 = tpu.vector_load %arg6[%get3A_498, %get3A_499] {strides = array<i32>} : memref<2x4096xi32, #tpu.memory_space<vmem>>, vector<16xi32>,
        %gather3A_501 = tpu.vector_load_idx %arg5[%broadcast_in_dim3A_47, %get3A_500] : memref<8x8192xf32, #tpu.memory_space<vmem>>[vector<16xi32>, vector<16xi32>], vector<16xf32>,
        %gather3A_502 = tpu.vector_load_idx %arg5[%broadcast_in_dim3A_49, %get3A_500] : memref<8x8192xf32, #tpu.memory_space<vmem>>[vector<16xi32>, vector<16xi32>], vector<16xf32>,
        %gather3A_503 = tpu.vector_load_idx %arg5[%broadcast_in_dim3A_51, %get3A_500] : memref<8x8192xf32, #tpu.memory_space<vmem>>[vector<16xi32>, vector<16xi32>], vector<16xf32>,
        %gather3A_504 = tpu.vector_load_idx %arg5[%broadcast_in_dim3A_53, %get3A_500] : memref<8x8192xf32, #tpu.memory_space<vmem>>[vector<16xi32>, vector<16xi32>], vector<16xf32>,
        %gather3A_505 = tpu.vector_load_idx %arg5[%broadcast_in_dim3A_55, %get3A_500] : memref<8x8192xf32, #tpu.memory_space<vmem>>[vector<16xi32>, vector<16xi32>], vector<16xf32>,
        %gather3A_506 = tpu.vector_load_idx %arg5[%broadcast_in_dim3A_57, %get3A_500] : memref<8x8192xf32, #tpu.memory_space<vmem>>[vector<16xi32>, vector<16xi32>], vector<16xf32>,
        %gather3A_507 = tpu.vector_load_idx %arg5[%broadcast_in_dim3A_59, %get3A_500] : memref<8x8192xf32, #tpu.memory_space<vmem>>[vector<16xi32>, vector<16xi32>], vector<16xf32>,
        %gather3A_508 = tpu.vector_load_idx %arg5[%broadcast_in_dim3A_61, %get3A_500] : memref<8x8192xf32, #tpu.memory_space<vmem>>[vector<16xi32>, vector<16xi32>], vector<16xf32>,
        %swap3A_509 = arith.constant 0 : i32
        %swap3A_510 = arith.index_cast %scan3A_149 : i32 to index
        %swap3A_511 = arith.index_cast %swap3A_509 : i32 to index
        %swap3A_512 = arith.constant 96 : index
        %swap3A_513 = tpu.vector_load %arg8[%swap3A_510, %swap3A_511, %swap3A_512] {strides = array<i32>} : memref<16x8x128xf32, #tpu.memory_space<vmem>>, vector<16xf32>,
        tpu.vector_store %arg8[%swap3A_510, %swap3A_511, %swap3A_512], %gather3A_446 {strides = array<i32>} : memref<16x8x128xf32, #tpu.memory_space<vmem>>, vector<16xf32>,
        %swap3A_514 = arith.constant 1 : i32
        %swap3A_515 = arith.index_cast %scan3A_149 : i32 to index
        %swap3A_516 = arith.index_cast %swap3A_514 : i32 to index
        %swap3A_517 = arith.constant 96 : index
        %swap3A_518 = tpu.vector_load %arg8[%swap3A_515, %swap3A_516, %swap3A_517] {strides = array<i32>} : memref<16x8x128xf32, #tpu.memory_space<vmem>>, vector<16xf32>,
        tpu.vector_store %arg8[%swap3A_515, %swap3A_516, %swap3A_517], %gather3A_447 {strides = array<i32>} : memref<16x8x128xf32, #tpu.memory_space<vmem>>, vector<16xf32>,
        %swap3A_519 = arith.constant 2 : i32
        %swap3A_520 = arith.index_cast %scan3A_149 : i32 to index
        %swap3A_521 = arith.index_cast %swap3A_519 : i32 to index
        %swap3A_522 = arith.constant 96 : index
        %swap3A_523 = tpu.vector_load %arg8[%swap3A_520, %swap3A_521, %swap3A_522] {strides = array<i32>} : memref<16x8x128xf32, #tpu.memory_space<vmem>>, vector<16xf32>,
        tpu.vector_store %arg8[%swap3A_520, %swap3A_521, %swap3A_522], %gather3A_448 {strides = array<i32>} : memref<16x8x128xf32, #tpu.memory_space<vmem>>, vector<16xf32>,
        %swap3A_524 = arith.constant 3 : i32
        %swap3A_525 = arith.index_cast %scan3A_149 : i32 to index
        %swap3A_526 = arith.index_cast %swap3A_524 : i32 to index
        %swap3A_527 = arith.constant 96 : index
        %swap3A_528 = tpu.vector_load %arg8[%swap3A_525, %swap3A_526, %swap3A_527] {strides = array<i32>} : memref<16x8x128xf32, #tpu.memory_space<vmem>>, vector<16xf32>,
        tpu.vector_store %arg8[%swap3A_525, %swap3A_526, %swap3A_527], %gather3A_449 {strides = array<i32>} : memref<16x8x128xf32, #tpu.memory_space<vmem>>, vector<16xf32>,
        %swap3A_529 = arith.constant 4 : i32
        %swap3A_530 = arith.index_cast %scan3A_149 : i32 to index
        %swap3A_531 = arith.index_cast %swap3A_529 : i32 to index
        %swap3A_532 = arith.constant 96 : index
        %swap3A_533 = tpu.vector_load %arg8[%swap3A_530, %swap3A_531, %swap3A_532] {strides = array<i32>} : memref<16x8x128xf32, #tpu.memory_space<vmem>>, vector<16xf32>,
        tpu.vector_store %arg8[%swap3A_530, %swap3A_531, %swap3A_532], %gather3A_450 {strides = array<i32>} : memref<16x8x128xf32, #tpu.memory_space<vmem>>, vector<16xf32>,
        %swap3A_534 = arith.constant 5 : i32
        %swap3A_535 = arith.index_cast %scan3A_149 : i32 to index
        %swap3A_536 = arith.index_cast %swap3A_534 : i32 to index
        %swap3A_537 = arith.constant 96 : index
        %swap3A_538 = tpu.vector_load %arg8[%swap3A_535, %swap3A_536, %swap3A_537] {strides = array<i32>} : memref<16x8x128xf32, #tpu.memory_space<vmem>>, vector<16xf32>,
        tpu.vector_store %arg8[%swap3A_535, %swap3A_536, %swap3A_537], %gather3A_451 {strides = array<i32>} : memref<16x8x128xf32, #tpu.memory_space<vmem>>, vector<16xf32>,
        %swap3A_539 = arith.constant 6 : i32
        %swap3A_540 = arith.index_cast %scan3A_149 : i32 to index
        %swap3A_541 = arith.index_cast %swap3A_539 : i32 to index
        %swap3A_542 = arith.constant 96 : index
        %swap3A_543 = tpu.vector_load %arg8[%swap3A_540, %swap3A_541, %swap3A_542] {strides = array<i32>} : memref<16x8x128xf32, #tpu.memory_space<vmem>>, vector<16xf32>,
        tpu.vector_store %arg8[%swap3A_540, %swap3A_541, %swap3A_542], %gather3A_452 {strides = array<i32>} : memref<16x8x128xf32, #tpu.memory_space<vmem>>, vector<16xf32>,
        %swap3A_544 = arith.constant 7 : i32
        %swap3A_545 = arith.index_cast %scan3A_149 : i32 to index
        %swap3A_546 = arith.index_cast %swap3A_544 : i32 to index
        %swap3A_547 = arith.constant 96 : index
        %swap3A_548 = tpu.vector_load %arg8[%swap3A_545, %swap3A_546, %swap3A_547] {strides = array<i32>} : memref<16x8x128xf32, #tpu.memory_space<vmem>>, vector<16xf32>,
        tpu.vector_store %arg8[%swap3A_545, %swap3A_546, %swap3A_547], %gather3A_453 {strides = array<i32>} : memref<16x8x128xf32, #tpu.memory_space<vmem>>, vector<16xf32>,
        %swap3A_549 = arith.constant 0 : i32
        %swap3A_550 = arith.index_cast %scan3A_149 : i32 to index
        %swap3A_551 = arith.index_cast %swap3A_549 : i32 to index
        %swap3A_552 = arith.constant 112 : index
        %swap3A_553 = tpu.vector_load %arg8[%swap3A_550, %swap3A_551, %swap3A_552] {strides = array<i32>} : memref<16x8x128xf32, #tpu.memory_space<vmem>>, vector<16xf32>,
        tpu.vector_store %arg8[%swap3A_550, %swap3A_551, %swap3A_552], %gather3A_501 {strides = array<i32>} : memref<16x8x128xf32, #tpu.memory_space<vmem>>, vector<16xf32>,
        %swap3A_554 = arith.constant 1 : i32
        %swap3A_555 = arith.index_cast %scan3A_149 : i32 to index
        %swap3A_556 = arith.index_cast %swap3A_554 : i32 to index
        %swap3A_557 = arith.constant 112 : index
        %swap3A_558 = tpu.vector_load %arg8[%swap3A_555, %swap3A_556, %swap3A_557] {strides = array<i32>} : memref<16x8x128xf32, #tpu.memory_space<vmem>>, vector<16xf32>,
        tpu.vector_store %arg8[%swap3A_555, %swap3A_556, %swap3A_557], %gather3A_502 {strides = array<i32>} : memref<16x8x128xf32, #tpu.memory_space<vmem>>, vector<16xf32>,
        %swap3A_559 = arith.constant 2 : i32
        %swap3A_560 = arith.index_cast %scan3A_149 : i32 to index
        %swap3A_561 = arith.index_cast %swap3A_559 : i32 to index
        %swap3A_562 = arith.constant 112 : index
        %swap3A_563 = tpu.vector_load %arg8[%swap3A_560, %swap3A_561, %swap3A_562] {strides = array<i32>} : memref<16x8x128xf32, #tpu.memory_space<vmem>>, vector<16xf32>,
        tpu.vector_store %arg8[%swap3A_560, %swap3A_561, %swap3A_562], %gather3A_503 {strides = array<i32>} : memref<16x8x128xf32, #tpu.memory_space<vmem>>, vector<16xf32>,
        %swap3A_564 = arith.constant 3 : i32
        %swap3A_565 = arith.index_cast %scan3A_149 : i32 to index
        %swap3A_566 = arith.index_cast %swap3A_564 : i32 to index
        %swap3A_567 = arith.constant 112 : index
        %swap3A_568 = tpu.vector_load %arg8[%swap3A_565, %swap3A_566, %swap3A_567] {strides = array<i32>} : memref<16x8x128xf32, #tpu.memory_space<vmem>>, vector<16xf32>,
        tpu.vector_store %arg8[%swap3A_565, %swap3A_566, %swap3A_567], %gather3A_504 {strides = array<i32>} : memref<16x8x128xf32, #tpu.memory_space<vmem>>, vector<16xf32>,
        %swap3A_569 = arith.constant 4 : i32
        %swap3A_570 = arith.index_cast %scan3A_149 : i32 to index
        %swap3A_571 = arith.index_cast %swap3A_569 : i32 to index
        %swap3A_572 = arith.constant 112 : index
        %swap3A_573 = tpu.vector_load %arg8[%swap3A_570, %swap3A_571, %swap3A_572] {strides = array<i32>} : memref<16x8x128xf32, #tpu.memory_space<vmem>>, vector<16xf32>,
        tpu.vector_store %arg8[%swap3A_570, %swap3A_571, %swap3A_572], %gather3A_505 {strides = array<i32>} : memref<16x8x128xf32, #tpu.memory_space<vmem>>, vector<16xf32>,
        %swap3A_574 = arith.constant 5 : i32
        %swap3A_575 = arith.index_cast %scan3A_149 : i32 to index
        %swap3A_576 = arith.index_cast %swap3A_574 : i32 to index
        %swap3A_577 = arith.constant 112 : index
        %swap3A_578 = tpu.vector_load %arg8[%swap3A_575, %swap3A_576, %swap3A_577] {strides = array<i32>} : memref<16x8x128xf32, #tpu.memory_space<vmem>>, vector<16xf32>,
        tpu.vector_store %arg8[%swap3A_575, %swap3A_576, %swap3A_577], %gather3A_506 {strides = array<i32>} : memref<16x8x128xf32, #tpu.memory_space<vmem>>, vector<16xf32>,
        %swap3A_579 = arith.constant 6 : i32
        %swap3A_580 = arith.index_cast %scan3A_149 : i32 to index
        %swap3A_581 = arith.index_cast %swap3A_579 : i32 to index
        %swap3A_582 = arith.constant 112 : index
        %swap3A_583 = tpu.vector_load %arg8[%swap3A_580, %swap3A_581, %swap3A_582] {strides = array<i32>} : memref<16x8x128xf32, #tpu.memory_space<vmem>>, vector<16xf32>,
        tpu.vector_store %arg8[%swap3A_580, %swap3A_581, %swap3A_582], %gather3A_507 {strides = array<i32>} : memref<16x8x128xf32, #tpu.memory_space<vmem>>, vector<16xf32>,
        %swap3A_584 = arith.constant 7 : i32
        %swap3A_585 = arith.index_cast %scan3A_149 : i32 to index
        %swap3A_586 = arith.index_cast %swap3A_584 : i32 to index
        %swap3A_587 = arith.constant 112 : index
        %swap3A_588 = tpu.vector_load %arg8[%swap3A_585, %swap3A_586, %swap3A_587] {strides = array<i32>} : memref<16x8x128xf32, #tpu.memory_space<vmem>>, vector<16xf32>,
        tpu.vector_store %arg8[%swap3A_585, %swap3A_586, %swap3A_587], %gather3A_508 {strides = array<i32>} : memref<16x8x128xf32, #tpu.memory_space<vmem>>, vector<16xf32>,
      }
      %scan3A_138 = arith.constant 16 : i32
      %dma_start3A_139 = arith.constant 16 : i32
      %dma_start3A_140 = arith.constant 0 : i32
      %dma_start3A_141 = arith.constant 0 : i32
      %dma_start3A_142 = tpu.memref_slice %arg4[%add3A_87, %select_n3A, %dma_start3A_139, %dma_start3A_140, %dma_start3A_141] : memref<200x8x32x8x128xf32, #tpu.memory_space<hbm>> -> memref<1x1x16x8x128xf32, #tpu.memory_space<hbm>>
      %dma_start3A_143 = tpu.memref_squeeze %dma_start3A_142 : memref<1x1x16x8x128xf32, #tpu.memory_space<hbm>> -> memref<16x8x128xf32, #tpu.memory_space<hbm>>
      %dma_start3A_144 = arith.constant 16 : i32
      %dma_start3A_145 = arith.constant 0 : i32
      %dma_start3A_146 = arith.constant 0 : i32
      %dma_start3A_147 = tpu.memref_slice %arg4[%add3A_87, %select_n3A, %dma_start3A_144, %dma_start3A_145, %dma_start3A_146] : memref<200x8x32x8x128xf32, #tpu.memory_space<hbm>> -> memref<1x1x16x8x128xf32, #tpu.memory_space<hbm>>
      %dma_start3A_148 = tpu.memref_squeeze %dma_start3A_147 : memref<1x1x16x8x128xf32, #tpu.memory_space<hbm>> -> memref<16x8x128xf32, #tpu.memory_space<hbm>>
      tpu.enqueue_dma source(%arg8 : memref<16x8x128xf32, #tpu.memory_space<vmem>>) target(%dma_start3A_148 : memref<16x8x128xf32, #tpu.memory_space<hbm>>) target_semaphore(%arg11 : memref<!tpu.dma_semaphore, #tpu.memory_space<semaphore_mem>>)
    }
    %scan3A_66 = arith.constant 50 : i32
    %dma_wait3A = arith.constant 0 : i32
    %dma_wait3A_67 = arith.constant 0 : i32
    %dma_wait3A_68 = arith.constant 0 : i32
    %dma_wait3A_69 = tpu.memref_slice %arg4[%mul3A_32, %select_n3A, %dma_wait3A, %dma_wait3A_67, %dma_wait3A_68] : memref<200x8x32x8x128xf32, #tpu.memory_space<hbm>> -> memref<1x1x16x8x128xf32, #tpu.memory_space<hbm>>
    %dma_wait3A_70 = tpu.memref_squeeze %dma_wait3A_69 : memref<1x1x16x8x128xf32, #tpu.memory_space<hbm>> -> memref<16x8x128xf32, #tpu.memory_space<hbm>>
    %dma_wait3A_71 = arith.constant 0 : i32
    %dma_wait3A_72 = arith.constant 0 : i32
    %dma_wait3A_73 = arith.constant 0 : i32
    %dma_wait3A_74 = tpu.memref_slice %arg4[%mul3A_32, %select_n3A, %dma_wait3A_71, %dma_wait3A_72, %dma_wait3A_73] : memref<200x8x32x8x128xf32, #tpu.memory_space<hbm>> -> memref<1x1x16x8x128xf32, #tpu.memory_space<hbm>>
    %dma_wait3A_75 = tpu.memref_squeeze %dma_wait3A_74 : memref<1x1x16x8x128xf32, #tpu.memory_space<hbm>> -> memref<16x8x128xf32, #tpu.memory_space<hbm>>
    tpu.wait_dma2 semaphore(%arg10 : memref<!tpu.dma_semaphore, #tpu.memory_space<semaphore_mem>>) src(%arg7 : memref<16x8x128xf32, #tpu.memory_space<vmem>>) dst(%dma_wait3A_75 : memref<16x8x128xf32, #tpu.memory_space<hbm>>)
    %dma_wait3A_76 = arith.constant 16 : i32
    %dma_wait3A_77 = arith.constant 0 : i32
    %dma_wait3A_78 = arith.constant 0 : i32
    %dma_wait3A_79 = tpu.memref_slice %arg4[%mul3A_32, %select_n3A, %dma_wait3A_76, %dma_wait3A_77, %dma_wait3A_78] : memref<200x8x32x8x128xf32, #tpu.memory_space<hbm>> -> memref<1x1x16x8x128xf32, #tpu.memory_space<hbm>>
    %dma_wait3A_80 = tpu.memref_squeeze %dma_wait3A_79 : memref<1x1x16x8x128xf32, #tpu.memory_space<hbm>> -> memref<16x8x128xf32, #tpu.memory_space<hbm>>
    %dma_wait3A_81 = arith.constant 16 : i32
    %dma_wait3A_82 = arith.constant 0 : i32
    %dma_wait3A_83 = arith.constant 0 : i32
    %dma_wait3A_84 = tpu.memref_slice %arg4[%mul3A_32, %select_n3A, %dma_wait3A_81, %dma_wait3A_82, %dma_wait3A_83] : memref<200x8x32x8x128xf32, #tpu.memory_space<hbm>> -> memref<1x1x16x8x128xf32, #tpu.memory_space<hbm>>
    %dma_wait3A_85 = tpu.memref_squeeze %dma_wait3A_84 : memref<1x1x16x8x128xf32, #tpu.memory_space<hbm>> -> memref<16x8x128xf32, #tpu.memory_space<hbm>>
    tpu.wait_dma2 semaphore(%arg11 : memref<!tpu.dma_semaphore, #tpu.memory_space<semaphore_mem>>) src(%arg8 : memref<16x8x128xf32, #tpu.memory_space<vmem>>) dst(%dma_wait3A_85 : memref<16x8x128xf32, #tpu.memory_space<hbm>>)
    return
  }
}

</mosaic_0001>

<sc_bundles>
// kernel: kernel.3.cloned.1.call-start
scs
__scs_entry_jumppad:
0x0: {  	(pc) =	sbr.rel $0x88, $3  }
0x1: {  	(tag) =	ssettag $0x0;
	lr =	simm.s32 $0x1  }
0x2: {  	[smem:$0x3F9F] =	sst lr;
	_ =	strace $0xD0000000  }
0x3: {  	_ = 	snop  }
0x4: {  	_ = 	snop  }
0x5: {  	_ = 	snop  }
0x6: {  	_ = 	snop  }
0x7: {  	_ = 	snop  }
__scs_overlays_trampoline_lowered:
0x8: {  	[smem:$0x3FAE] =	sst s0  }
0x9: {  	[smem:$0x3FAF] =	sst s1  }
0xa: {  	[smem:$0x3FB0] =	sst s2  }
0xb: {  	[smem:$0x3FB1] =	sst s3  }
0xc: {  	[smem:$0x3FB2] =	sst s4  }
0xd: {  	[smem:$0x3FB3] =	sst s5  }
0xe: {  	[smem:$0x3FB4] =	sst s6  }
0xf: {  	[smem:$0x3FB5] =	sst s7  }
0x10: {  	[smem:$0x3FB6] =	sst s8  }
0x11: {  	[smem:$0x3FB7] =	sst s9;
	s0 =	simm.s32 @!p0 $0x0  }
0x12: {  	s1 =	sld [smem:$0x3F9D];
	s0 =	simm.s32 @p0 $0x1  }
0x13: {  	[smem:$0x3FB8] =	sst s0;
	s0 =	simm.s32 @!p1 $0x0  }
0x14: {  	s2 =	sld [smem:$0x3F9C];
	s0 =	simm.s32 @p1 $0x1  }
0x15: {  	[smem:$0x3FB9] =	sst s0;
	s0 =	simm.s32 @!p2 $0x0  }
0x16: {  	s3 =	sld [smem:$0x3FDB];
	s0 =	simm.s32 @p2 $0x1  }
0x17: {  	s4 =	simm.s32 $0x1BF5;
	[smem:$0x3FBB] =	sst s0  }
0x18: {  	s0 =	sld [smem:$0x3F9E];
	_ =	swait.ge [sflag:s4], $0x0  }
0x19: {  	s7 =	sld [smem:$0x3F9F]  }
0x1a: {  	s8 =	sadd.s32 $0xFFFFE003, lr  }
0x1b: {  	s9 =	sadd.s32 $0xFFFFFEF7, lr;
	s5 =	simm.s32 $0xFFFFFFFF;
	p2 =	slt.u32 s8, $0xFFFFF086  }
0x1c: {  	p1 =	slt.u32 s9, $0xF7A;
	s5 =	simm.s32 @!p2 $0x0  }
0x1d: {  	s5 =	simm.s32 @p1 $0x1;
	p0 =	seq.s32 s7, s2  }
0x1e: {  	s7 =	smul.u32 @!p0 $0xF7A, s2;
	p2 =	seq.s32 @!p0 s5, $0x0  }
0x1f: {  	s9 =	smul.u32 $0xF7A, s1;
	s8 =	simm.s32 @!p0 $0x1BF5;
	p2 =	por !p2, p0  }
0x20: {  	[sflag:s8] =	ssyncset.s32 @!p0 $0xFFFFF086;
	s6 =	sadd.s32 @!p0 s3, s7;
	s7 =	simm.s32 @!p0 $0x108  }
0x21: {  	s3 =	sadd.s32 s3, s9;
	s6 =	sadd.s32 @!p0 $0x88, s6;
	s7 =	simm.s32 @p2 $0x1082  }
0x22: {  	[simem:s7], [sflag:s8] =	dma.local @!p0 [hbm:s6], $0xF7A  }
0x23: {  	s9 =	sor.u32 $0xD0000000, s2;
	s6 =	simm.s32 $0x108;
	_ =	swait.ge @!p0 [sflag:s8], $0x0  }
0x24: {  	s3 =	sadd.s32 $0x88, s3;
	s6 =	simm.s32 @!p1 $0x1082;
	[sflag:s4] =	ssyncset.s32 $0xFFFFF086  }
0x25: {  	[simem:s6], [sflag:s4] =	dma.local [hbm:s3], $0xF7A  }
0x26: {  	[smem:$0x3F9F] =	sst s1;
	(tag) =	ssettag s2;
	_ =	strace s9  }
0x27: {  	s1 =	sld [smem:$0x3FAF]  }
0x28: {  	s2 =	sld [smem:$0x3FB0]  }
0x29: {  	s4 =	sld [smem:$0x3FB2]  }
0x2a: {  	p0 =	seq.s32 s5, $0x0;
	s5 =	sld [smem:$0x3FB3]  }
0x2b: {  	s6 =	sld [smem:$0x3FB4]  }
0x2c: {  	s7 =	sld [smem:$0x3FB5]  }
0x2d: {  	s3 =	simm.s32 $0x108;
	s8 =	sld [smem:$0x3FB6]  }
0x2e: {  	s3 =	simm.s32 @!p0 $0x1082;
	s9 =	sld [smem:$0x3FB7]  }
0x2f: {  	lr =	sadd.s32 s0, s3;
	s0 =	sld [smem:$0x3FAE]  }
0x30: {  	s3 =	sld [smem:$0x3FB1]  }
0x31: {  	[smem:$0x3FBA] =	sst s10  }
0x32: {  	s10 =	sld [smem:$0x3FB8];
	_ =	sdelay $0x3  }
0x33: {  	p0 =	seq.s32 s10, $0x1;
	s10 =	sld [smem:$0x3FBA];
	_ =	sdelay $0x3  }
0x34: {  	[smem:$0x3FBA] =	sst s10  }
0x35: {  	s10 =	sld [smem:$0x3FB9];
	_ =	sdelay $0x3  }
0x36: {  	p1 =	seq.s32 s10, $0x1;
	s10 =	sld [smem:$0x3FBA];
	_ =	sdelay $0x3  }
0x37: {  	[smem:$0x3FBA] =	sst s10  }
0x38: {  	s10 =	sld [smem:$0x3FBB]  }
0x39: {  	_ = 	snop;
	(pc) =	sbr.ind lr, $3  }
0x3a: {  	_ = 	snop  }
0x3b: {  	_ = 	snop  }
0x3c: {  	p2 =	seq.s32 s10, $0x1;
	s10 =	sld [smem:$0x3FBA]  }
0x3d: {  	_ =	shalt  }
0x3e: {  	_ =	shalt  }
0x3f: {  	_ =	shalt  }
0x40: {  	_ =	shalt  }
0x41: {  	_ =	shalt  }
0x42: {  	_ =	shalt  }
0x43: {  	_ =	shalt  }
0x44: {  	_ =	shalt  }
0x45: {  	_ =	shalt  }
0x46: {  	_ =	shalt  }
0x47: {  	_ =	shalt  }
0x48: {  	_ =	shalt  }
0x49: {  	_ =	shalt  }
0x4a: {  	_ =	shalt  }
0x4b: {  	_ =	shalt  }
0x4c: {  	_ =	shalt  }
0x4d: {  	_ =	shalt  }
0x4e: {  	_ =	shalt  }
0x4f: {  	_ =	shalt  }
0x50: {  	_ =	shalt  }
0x51: {  	_ =	shalt  }
0x52: {  	_ =	shalt  }
0x53: {  	_ =	shalt  }
0x54: {  	_ =	shalt  }
0x55: {  	_ =	shalt  }
0x56: {  	_ =	shalt  }
0x57: {  	_ =	shalt  }
0x58: {  	_ =	shalt  }
0x59: {  	_ =	shalt  }
0x5a: {  	_ =	shalt  }
0x5b: {  	_ =	shalt  }
0x5c: {  	_ =	shalt  }
0x5d: {  	_ =	shalt  }
0x5e: {  	_ =	shalt  }
0x5f: {  	_ =	shalt  }
0x60: {  	_ =	shalt  }
0x61: {  	_ =	shalt  }
0x62: {  	_ =	shalt  }
0x63: {  	_ =	shalt  }
0x64: {  	_ =	shalt  }
0x65: {  	_ =	shalt  }
0x66: {  	_ =	shalt  }
0x67: {  	_ =	shalt  }
0x68: {  	_ =	shalt  }
0x69: {  	_ =	shalt  }
0x6a: {  	_ =	shalt  }
0x6b: {  	_ =	shalt  }
0x6c: {  	_ =	shalt  }
0x6d: {  	_ =	shalt  }
0x6e: {  	_ =	shalt  }
0x6f: {  	_ =	shalt  }
0x70: {  	_ =	shalt  }
0x71: {  	_ =	shalt  }
0x72: {  	_ =	shalt  }
0x73: {  	_ =	shalt  }
0x74: {  	_ =	shalt  }
0x75: {  	_ =	shalt  }
0x76: {  	_ =	shalt  }
0x77: {  	_ =	shalt  }
0x78: {  	_ =	shalt  }
0x79: {  	_ =	shalt  }
0x7a: {  	_ =	shalt  }
0x7b: {  	_ =	shalt  }
0x7c: {  	_ =	shalt  }
0x7d: {  	_ =	shalt  }
0x7e: {  	_ =	shalt  }
0x7f: {  	_ =	shalt  }
0x80: {  	_ =	shalt  }
0x81: {  	_ =	shalt  }
0x82: {  	_ =	shalt  }
0x83: {  	_ =	shalt  }
0x84: {  	_ =	shalt  }
0x85: {  	_ =	shalt  }
0x86: {  	_ =	shalt  }
0x87: {  	_ =	shalt  }
.Lfunc_end0:
.L_simem_size_0:
called_computation_lowered:
.L_overlay_start_0:
0x88: {  	s2 =	sld [smem:$0x3FD9]  }
0x89: {  	s3 =	sld [smem:$0x3FFE];
	_ =	sdelay $0x1  }
0x8a: {  	s1 =	srdreg.scid  }
0x8b: {  	s0 =	sand.u32 $0x1, s1  }
0x8c: {  	s18 =	sshll.u32 s0, $0xA;
	s2 =	sadd.s32 s3, s2  }
0x8d: {  	s2 =	sadd.s32 s2, s18  }
0x8e: {  	[smem:$0x3FC6] =	sst s2  }
0x8f: {  	_ = 	snop  }
0x90: {  	s2 =	sld [smem:$0x3FC9]  }
0x91: {  	s19 =	sld [smem:$0x3FC8]  }
0x92: {  	s4 =	sld [smem:$0x3FD0];
	(tm) =	ssettm $0x1  }
0x93: {  	s5 =	sld [smem:$0x3FFB];
	_ =	sdelay $0x3  }
0x94: {  	_ =	strace s5  }
0x95: {  	s5 =	sld [smem:$0x3FFC];
	_ =	sdelay $0x3  }
0x96: {  	_ =	strace s5  }
0x97: {  	s5 =	sld [smem:$0x3FFD];
	_ =	sdelay $0x3  }
0x98: {  	_ =	strace s5  }
0x99: {  	_ =	strace $0x8FFFFFFF  }
0x9a: {  	s20 =	sld [smem:$0x3FDB];
	_ =	sdelay $0x1  }
0x9b: {  	s6 =	simm.s32 $_scs_section_size  }
0x9c: {  	s7 =	simm.s32 $_size__tile_overlayer_lowered;
	s8 =	simm.s32 $_tile_overlayer_lowered  }
0x9d: {  	s23 =	simm.s32 $0x1BFF;
	s22 =	sshll.u32 s8, $0x1;
	s5 =	sadd.s32 s6, s20  }
0x9e: {  	s9 =	simm.s32 $0x0;
	s21 =	sshll.u32 s7, $0x1;
	s7 =	sadd.s32 s22, s5  }
0x9f: {  	[timem:s9], [sflag:s23] =	dma.local [hbm:s7], s21  }
0xa0: {  	_ =	swait.ge [sflag:s23], s21  }
0xa1: {  	s6 =	ssub.s32 $0x0, s21;
	[sflag:s23] =	ssyncset.done $0x0  }
0xa2: {  	[sflag:s23] =	ssyncadd.s32 s6;
	_ =	sdelay $0x1  }
0xa3: {  	s24 =	simm.s32 $0x1B8B  }
0xa4: {  	_ =	swait.ge [sflag:s24], $0x1  }
0xa5: {  	[sflag:s24] =	ssyncset.done $0x0  }
0xa6: {  	s25 =	simm.s32 $0x1B8E;
	[sflag:s24] =	ssyncadd.s32 $0xFFFFFFFF  }
0xa7: {  	s26 =	simm.s32 $execute0_lowered;
	[smem:$0x3FD2] =	sst s25  }
0xa8: {  	s6 =	sshll.u32 s26, $0x1;
	_ =	strace $0x80000046;
	[dreg:$0x1] =	wrdreg $0xFFFFFFFF  }
0xa9: {  	s28 =	simm.s32 $_size_execute0_lowered;
	s5 =	sadd.s32 s5, s6;
	[dreg:$0x0] =	wrdreg $0x0  }
0xaa: {  	s6 =	sshll.u32 s28, $0x1;
	[dreg:$0x2] =	wrdreg s5  }
0xab: {  	[dreg:$0x3] =	wrdreg s6  }
0xac: {  	[dreg:$0x4] =	wrdreg $0xC0  }
0xad: {  	_ =	task [dreg:s9], $0x5FFFF  }
0xae: {  	[dreg:$0x1] =	wrdreg $0xFFFFFFFF  }
0xaf: {  	[dreg:$0x0] =	wrdreg $0x60  }
0xb0: {  	[dreg:$0x2] =	wrdreg s19  }
0xb1: {  	[dreg:$0x3] =	wrdreg s2  }
0xb2: {  	[dreg:$0x4] =	wrdreg s4  }
0xb3: {  	[dreg:$0x5] =	wrdreg $0x9  }
0xb4: {  	_ =	task.clear_ibuf [dreg:s9], $0x6FFFF;
	_ =	strace $0x90000046  }
0xb5: {  	s29 =	simm.s32 $0x9;
	_ =	strace $0x80000048  }
0xb6: {  	_ =	swait.ge [sflag:s29], $0x1  }
0xb7: {  	[sflag:s29] =	ssyncadd.s32 $0xFFFFFFFF  }
0xb8: {  	_ =	strace $0x90000048  }
0xb9: {  	_ =	sfence  }
0xba: {  	s30 =	sld [smem:$0x0];
	_ =	sdelay $0x2  }
0xbb: {  	s31 =	sshll.u32 s1, $0xD;
	s1 =	sshrl.u32 s1, $0x2  }
0xbc: {  	s3 =	sand.u32 $0x4000, s31;
	s1 =	sadd.s32 s1, s30  }
0xbd: {  	s0 =	sor.u32 s3, s0;
	s1 =	sshll.u32 s1, $0x11  }
0xbe: {  	s0 =	sor.u32 s1, s0  }
0xbf: {  	s0 =	sadd.s32 $0x8F2B, s0  }
0xc0: {  	[sflag:s0] =	ssyncadd.remote.s32 $0x1  }
0xc1: {  	_ =	sfence.sel $0xFFFF  }
0xc2: {  	[dreg:$0x0] =	wrdreg $0xFFFFFFFF;
	(pc) =	sbr.abs _section_cstart, $3  }
0xc3: {  	[dreg:$0x1] =	wrdreg $0xFFFFFFFF  }
0xc4: {  	_ =	task.clear_ibuf [dreg:s9], $0x2FFFF;
	_ =	strace $0x9FFFFFFF  }
0xc5: {  	(tm) =	ssettm $0x7FFFFFFF  }
tec
execute0_lowered:
.L_overlay_start_1:
0x0: {  	(tag) =	ssettag $0x1  }
0x1: {  	s6 =	rddreg [dreg:$0x0]  }
0x2: {  	s0 =	stileid.u32;
	s2 =	rddreg [dreg:$0x1]  }
0x3: {  	s1 =	srdreg.scid;
	s3 =	rddreg [dreg:$0x2];
	s12 =	simm.s32 $0x1  }
0x4: {  	s13 =	simm.s32 $0x2;
	s14 =	simm.s32 $0x12000;
	s15 =	simm.s32 $0x16000  }
0x5: {  	s16 =	simm.s32 $0x3;
	s17 =	simm.s32 $0x0;
	s4 =	sshll.u32 s0, $0x1  }
0x6: {  	s5 =	sand.u32 $0x1, s1;
	s1 =	rddreg [dreg:$0x3];
	s7 =	sand.u32 $0x2, s4  }
0x7: {  	s30 =	sshrl.u32 s0, $0x1;
	s4 =	simm.s32 $0x0;
	s7 =	sor.u32 s5, s7  }
0x8: {  	s31 =	sshll.u32 s30, $0xD;
	[smem:$0x7FF] =	sst s4;
	s8 =	smul.u32 $0x32000, s7  }
0x9: {  	s5 =	ssub.s32 $0x2, s5;
	s6 =	sadd.s32 s6, s31;
	_ =	strace $0x80000047  }
0xa: {  	s9 =	sshrl.u32 s5, $0x1;
	s10 =	sshll.u32 s7, $0x8;
	s8 =	sand.u32 $0xF8000, s8  }
0xb: {  	s11 =	ssub.s32 s5, s9;
	s5 =	smul.u32 $0x32, s7;
	s8 =	sor.u32 s10, s8  }
0xc: {  	s9 =	sadd.s32 $0x800, s3;
	s10 =	smax.u32 s11, $0x1;
	s8 =	sshrl.u32 s8, $0x3  }
0xd: {  	s11 =	simm.s32 $0x4;
	s7 =	sadd.s32 s2, s8;
	s8 =	sshll.u32 s30, $0xC  }
.LBB2_1:
0xe: {  	[tilespmem:s4], [sflag:$0x4] =	stream.linear.gather [hbm4b:s6+s4], $0x10000, $0x38;
	[tilespmem:$0x1A000] =	vst v63  }
0xf: {  	_ =	swait.ge [sflag:s11], $0x10000  }
0x10: {  	s19 =	simm.s32 $0x10000;
	[sflag:s11] =	ssyncset.done $0x0  }
0x11: {  	s18 =	sadd.s32 $0x0, s7;
	s20 =	simm.s32 $0x80;
	[sflag:s11] =	ssyncadd.s32 $0xFFFF0000  }
0x12: {  	[tilespmem:s19], [sflag:$0x1] =	stream.linear.gather [hbm4b:s18+s4], $0x80, $0x38;
	[tilespmem:$0x1A000] =	vst v63  }
.LBB2_2:
0x13: {  	p0 =	sne.s32 s20, $0xF80  }
.Ltmp0:
0x14: {  	_ = 	snop;
	(pc) =	sbr.rel @p0 .LBB2_2-.Ltmp0, $4  }
0x15: {  	_ = 	snop  }
0x16: {  	s21 =	sadd.s32 s20, s7;
	s19 =	sadd.s32 $0x100, s19  }
0x17: {  	s18 =	simm.s32 $0x0;
	s20 =	sadd.s32 $0x80, s20  }
0x18: {  	[tilespmem:s19], [sflag:$0x1] =	stream.linear.gather [hbm4b:s21+s18], $0x80, $0x38;
	[tilespmem:$0x1A000] =	vst v63  }
.Ltmp1:
0x19: {  	_ = 	snop;
	(pc) =	sbr.rel .LBB2_3-.Ltmp1, $1  }
0x1a: {  	_ =	sdelay $0x3  }
.LBB2_7:
.Ltmp2:
0x1b: {  	(pc) =	sbr.rel .LBB2_9-.Ltmp2, $2  }
0x1c: {  	_ =	sdelay $0x2  }
0x1d: {  	p0 =	por $0x1, $0x1  }
.LBB2_3:
0x1e: {  	p0 =	seq.s32 s18, $0x31  }
.Ltmp3:
0x1f: {  	_ = 	snop;
	(pc) =	sbr.rel @p0 .LBB2_8-.Ltmp3, $4  }
0x20: {  	_ = 	snop  }
0x21: {  	_ =	swait.ge [sflag:s12], $0x1000  }
0x22: {  	[sflag:s12] =	ssyncset.done $0x0  }
0x23: {  	s20 =	sadd.s32 s5, s18;
	s19 =	simm.s32 $0x80;
	[sflag:s12] =	ssyncadd.s32 $0xFFFFF000  }
0x24: {  	s21 =	sadd.s32 $0x1, s20  }
0x25: {  	s19 =	sshll.u32 s18, $0x7;
	s22 =	sshll.u32 s21, $0x4  }
0x26: {  	s19 =	sand.u32 $0x80, s19;
	s21 =	sshll.u32 s21, $0x9;
	s22 =	sand.u32 $0x70, s22  }
0x27: {  	s23 =	sxor.u32 $0x80, s19;
	s24 =	sand.u32 $0xFFFF000, s21;
	s22 =	sadd.s32 s2, s22  }
0x28: {  	s21 =	sor.u32 $0x10000, s23;
	s22 =	sadd.s32 s24, s22  }
0x29: {  	s23 =	simm.s32 $0x80;
	s24 =	sadd.s32 $0x100, s21;
	s25 =	sadd.s32 $0x0, s22  }
.LBB2_5:
0x2a: {  	[tilespmem:s21], [sflag:$0x1] =	stream.linear.gather [hbm4b:s25+s4], $0x80, $0x38;
	[tilespmem:$0x1A000] =	vst v63  }
0x2b: {  	s25 =	smov.u32 s23;
	s21 =	smov.u32 s24;
	p0 =	sne.s32 s23, $0xF80  }
.Ltmp4:
0x2c: {  	s23 =	sadd.s32 $0x80, s23;
	(pc) =	sbr.rel @p0 .LBB2_5-.Ltmp4, $2  }
0x2d: {  	_ =	sdelay $0x2  }
0x2e: {  	s24 =	sadd.s32 $0x100, s24;
	s25 =	sadd.s32 s25, s22  }
0x2f: {  	p0 =	seq.s32 s18, $0x0  }
.Ltmp5:
0x30: {  	_ = 	snop;
	(pc) =	sbr.rel @p0 .LBB2_7-.Ltmp5, $2  }
0x31: {  	_ =	sdelay $0x2  }
0x32: {  	[tilespmem:s21], [sflag:$0x1] =	stream.linear.gather [hbm4b:s25+s4], $0x80, $0x38;
	[tilespmem:$0x1A000] =	vst v63  }
.LBB2_8:
0x33: {  	_ =	swait.ge [sflag:s13], $0x4000  }
0x34: {  	[sflag:s13] =	ssyncset.done $0x0  }
0x35: {  	p0 =	por $0x0, $0x0;
	[sflag:s13] =	ssyncadd.s32 $0xFFFFC000  }
.LBB2_9:
0x36: {  	s23 =	sadd.s32 $0x10040, s19  }
0x37: {  	v0 =	vmov s23;
	_ =	sdelay $0x2  }
0x38: {  	s18 =	sadd.s32 $0x1, s18;
	s21 =	simm.s32 $0x0;
	s22 =	simm.s32 $0x12200  }
.LBB2_10:
0x39: {  	s23 =	sshra.s32 s21, $0x2  }
0x3a: {  	v1 =	vld.idx.msk [tilespmem:v0+s23+$0xFFFFFFC0 ss:$0x1], $0xffff  }
0x3b: {  	v3 =	vld.idx.msk [tilespmem:v0+s23+$0xFFFFFFD0 ss:$0x1], $0xffff;
	_ =	sdelay $0x3  }
0x3c: {  	v2 =	vshll.u32 v1, $0x3  }
0x3d: {  	v1 =	vand.u32 $0x7F, v1;
	v10 =	vshll.u32 v3, $0x3;
	v2 =	vand.u32 $0xFFFFFC00, v2  }
0x3e: {  	v3 =	vand.u32 $0x7F, v3;
	v10 =	vand.u32 $0xFFFFFC00, v10;
	v1 =	vor.u32 v1, v2  }
0x3f: {  	v3 =	vor.u32 v3, v10  }
0x40: {  	v2 =	vor.u32 $0x80, v1  }
0x41: {  	v4 =	vor.u32 $0x100, v1  }
0x42: {  	v5 =	vor.u32 $0x180, v1  }
0x43: {  	v6 =	vor.u32 $0x200, v1;
	v7 =	vld.idx.msk [tilespmem:v1+s4+$0x0], $0xffff  }
0x44: {  	v8 =	vor.u32 $0x280, v1;
	v14 =	vld.idx.msk [tilespmem:v3+s4+$0x0], $0xffff  }
0x45: {  	v9 =	vor.u32 $0x300, v1;
	v2 =	vld.idx.msk [tilespmem:v2+s4+$0x0], $0xffff  }
0x46: {  	v10 =	vor.u32 $0x80, v3;
	v4 =	vld.idx.msk [tilespmem:v4+s4+$0x0], $0xffff  }
0x47: {  	v11 =	vor.u32 $0x100, v3;
	v5 =	vld.idx.msk [tilespmem:v5+s4+$0x0], $0xffff  }
0x48: {  	v12 =	vor.u32 $0x180, v3;
	v6 =	vld.idx.msk [tilespmem:v6+s4+$0x0], $0xffff  }
0x49: {  	v13 =	vor.u32 $0x200, v3;
	v8 =	vld.idx.msk [tilespmem:v8+s4+$0x0], $0xffff  }
0x4a: {  	v15 =	vor.u32 $0x280, v3;
	v9 =	vld.idx.msk [tilespmem:v9+s4+$0x0], $0xffff  }
0x4b: {  	v16 =	vor.u32 $0x300, v3;
	v10 =	vld.idx.msk [tilespmem:v10+s4+$0x0], $0xffff  }
0x4c: {  	v1 =	vor.u32 $0x380, v1;
	v11 =	vld.idx.msk [tilespmem:v11+s4+$0x0], $0xffff  }
0x4d: {  	v3 =	vor.u32 $0x380, v3;
	v12 =	vld.idx.msk [tilespmem:v12+s4+$0x0], $0xffff  }
0x4e: {  	v13 =	vld.idx.msk [tilespmem:v13+s4+$0x0], $0xffff  }
0x4f: {  	v15 =	vld.idx.msk [tilespmem:v15+s4+$0x0], $0xffff  }
0x50: {  	v16 =	vld.idx.msk [tilespmem:v16+s4+$0x0], $0xffff  }
0x51: {  	v1 =	vld.idx.msk [tilespmem:v1+s4+$0x0], $0xffff  }
0x52: {  	v3 =	vld.idx.msk [tilespmem:v3+s4+$0x0], $0xffff;
	[tilespmem:s22+$0xFFFFFE00] =	vst v7  }
0x53: {  	[tilespmem:s22+$0xFFFFFE80] =	vst v2  }
0x54: {  	[tilespmem:s22+$0xFFFFFF00] =	vst v4  }
0x55: {  	[tilespmem:s22+$0xFFFFFF80] =	vst v5  }
0x56: {  	[tilespmem:s22+$0x0] =	vst v6  }
0x57: {  	[tilespmem:s22+$0x80] =	vst v8  }
0x58: {  	[tilespmem:s22+$0x100] =	vst v9  }
0x59: {  	[tilespmem:s22+$0x180] =	vst v1  }
0x5a: {  	v1 =	vld.idx.msk [tilespmem:v0+s23+$0xFFFFFFE0 ss:$0x1], $0xffff;
	_ =	sdelay $0x4  }
0x5b: {  	v2 =	vshll.u32 v1, $0x3  }
0x5c: {  	v1 =	vand.u32 $0x7F, v1;
	v2 =	vand.u32 $0xFFFFFC00, v2  }
0x5d: {  	v1 =	vor.u32 v1, v2  }
0x5e: {  	v2 =	vor.u32 $0x80, v1  }
0x5f: {  	v31 =	vor.u32 $0x100, v1  }
0x60: {  	v32 =	vor.u32 $0x180, v1  }
0x61: {  	v33 =	vor.u32 $0x200, v1  }
0x62: {  	v34 =	vor.u32 $0x280, v1;
	v7 =	vld.idx.msk [tilespmem:v1+s4+$0x0], $0xffff  }
0x63: {  	v35 =	vor.u32 $0x300, v1;
	v2 =	vld.idx.msk [tilespmem:v2+s4+$0x0], $0xffff  }
0x64: {  	v1 =	vor.u32 $0x380, v1;
	v4 =	vld.idx.msk [tilespmem:v31+s4+$0x0], $0xffff  }
0x65: {  	v5 =	vld.idx.msk [tilespmem:v32+s4+$0x0], $0xffff  }
0x66: {  	v6 =	vld.idx.msk [tilespmem:v33+s4+$0x0], $0xffff  }
0x67: {  	v8 =	vld.idx.msk [tilespmem:v34+s4+$0x0], $0xffff  }
0x68: {  	v9 =	vld.idx.msk [tilespmem:v35+s4+$0x0], $0xffff  }
0x69: {  	v1 =	vld.idx.msk [tilespmem:v1+s4+$0x0], $0xffff;
	[tilespmem:s22+$0xFFFFFE10] =	vst v14  }
0x6a: {  	[tilespmem:s22+$0xFFFFFE90] =	vst v10  }
0x6b: {  	[tilespmem:s22+$0xFFFFFF10] =	vst v11  }
0x6c: {  	[tilespmem:s22+$0xFFFFFF90] =	vst v12  }
0x6d: {  	[tilespmem:s22+$0x10] =	vst v13  }
0x6e: {  	[tilespmem:s22+$0x90] =	vst v15  }
0x6f: {  	[tilespmem:s22+$0x110] =	vst v16  }
0x70: {  	[tilespmem:s22+$0x190] =	vst v3  }
0x71: {  	v3 =	vld.idx.msk [tilespmem:v0+s23+$0xFFFFFFF0 ss:$0x1], $0xffff;
	_ =	sdelay $0x4  }
0x72: {  	v36 =	vshll.u32 v3, $0x3  }
0x73: {  	v3 =	vand.u32 $0x7F, v3;
	v10 =	vand.u32 $0xFFFFFC00, v36  }
0x74: {  	v3 =	vor.u32 v3, v10  }
0x75: {  	v10 =	vor.u32 $0x80, v3  }
0x76: {  	v37 =	vor.u32 $0x100, v3  }
0x77: {  	v38 =	vor.u32 $0x180, v3  }
0x78: {  	v39 =	vor.u32 $0x200, v3  }
0x79: {  	v40 =	vor.u32 $0x280, v3;
	v14 =	vld.idx.msk [tilespmem:v3+s4+$0x0], $0xffff  }
0x7a: {  	v41 =	vor.u32 $0x300, v3;
	v10 =	vld.idx.msk [tilespmem:v10+s4+$0x0], $0xffff  }
0x7b: {  	v3 =	vor.u32 $0x380, v3;
	v11 =	vld.idx.msk [tilespmem:v37+s4+$0x0], $0xffff  }
0x7c: {  	v12 =	vld.idx.msk [tilespmem:v38+s4+$0x0], $0xffff  }
0x7d: {  	v13 =	vld.idx.msk [tilespmem:v39+s4+$0x0], $0xffff  }
0x7e: {  	v15 =	vld.idx.msk [tilespmem:v40+s4+$0x0], $0xffff  }
0x7f: {  	v16 =	vld.idx.msk [tilespmem:v41+s4+$0x0], $0xffff  }
0x80: {  	v3 =	vld.idx.msk [tilespmem:v3+s4+$0x0], $0xffff;
	[tilespmem:s22+$0xFFFFFE20] =	vst v7  }
0x81: {  	[tilespmem:s22+$0xFFFFFEA0] =	vst v2  }
0x82: {  	[tilespmem:s22+$0xFFFFFF20] =	vst v4  }
0x83: {  	[tilespmem:s22+$0xFFFFFFA0] =	vst v5  }
0x84: {  	[tilespmem:s22+$0x20] =	vst v6  }
0x85: {  	[tilespmem:s22+$0xA0] =	vst v8  }
0x86: {  	[tilespmem:s22+$0x120] =	vst v9  }
0x87: {  	[tilespmem:s22+$0x1A0] =	vst v1  }
0x88: {  	v1 =	vld.idx.msk [tilespmem:v0+s23+$0x0 ss:$0x1], $0xffff;
	_ =	sdelay $0x4  }
0x89: {  	v2 =	vshll.u32 v1, $0x3  }
0x8a: {  	v1 =	vand.u32 $0x7F, v1;
	v2 =	vand.u32 $0xFFFFFC00, v2  }
0x8b: {  	v1 =	vor.u32 v1, v2  }
0x8c: {  	v2 =	vor.u32 $0x80, v1  }
0x8d: {  	v42 =	vor.u32 $0x100, v1  }
0x8e: {  	v43 =	vor.u32 $0x180, v1  }
0x8f: {  	v44 =	vor.u32 $0x200, v1  }
0x90: {  	v45 =	vor.u32 $0x280, v1;
	v7 =	vld.idx.msk [tilespmem:v1+s4+$0x0], $0xffff  }
0x91: {  	v46 =	vor.u32 $0x300, v1;
	v2 =	vld.idx.msk [tilespmem:v2+s4+$0x0], $0xffff  }
0x92: {  	v1 =	vor.u32 $0x380, v1;
	v4 =	vld.idx.msk [tilespmem:v42+s4+$0x0], $0xffff  }
0x93: {  	v5 =	vld.idx.msk [tilespmem:v43+s4+$0x0], $0xffff  }
0x94: {  	v6 =	vld.idx.msk [tilespmem:v44+s4+$0x0], $0xffff  }
0x95: {  	v8 =	vld.idx.msk [tilespmem:v45+s4+$0x0], $0xffff  }
0x96: {  	v9 =	vld.idx.msk [tilespmem:v46+s4+$0x0], $0xffff  }
0x97: {  	v1 =	vld.idx.msk [tilespmem:v1+s4+$0x0], $0xffff;
	[tilespmem:s22+$0xFFFFFE30] =	vst v14  }
0x98: {  	[tilespmem:s22+$0xFFFFFEB0] =	vst v10  }
0x99: {  	[tilespmem:s22+$0xFFFFFF30] =	vst v11  }
0x9a: {  	[tilespmem:s22+$0xFFFFFFB0] =	vst v12  }
0x9b: {  	[tilespmem:s22+$0x30] =	vst v13  }
0x9c: {  	[tilespmem:s22+$0xB0] =	vst v15  }
0x9d: {  	[tilespmem:s22+$0x130] =	vst v16  }
0x9e: {  	[tilespmem:s22+$0x1B0] =	vst v3  }
0x9f: {  	v3 =	vld.idx.msk [tilespmem:v0+s23+$0x10 ss:$0x1], $0xffff;
	_ =	sdelay $0x4  }
0xa0: {  	v47 =	vshll.u32 v3, $0x3  }
0xa1: {  	v3 =	vand.u32 $0x7F, v3;
	v10 =	vand.u32 $0xFFFFFC00, v47  }
0xa2: {  	v3 =	vor.u32 v3, v10  }
0xa3: {  	v10 =	vor.u32 $0x80, v3  }
0xa4: {  	v48 =	vor.u32 $0x100, v3  }
0xa5: {  	v49 =	vor.u32 $0x180, v3  }
0xa6: {  	v50 =	vor.u32 $0x200, v3  }
0xa7: {  	v51 =	vor.u32 $0x280, v3;
	v14 =	vld.idx.msk [tilespmem:v3+s4+$0x0], $0xffff  }
0xa8: {  	v52 =	vor.u32 $0x300, v3;
	v10 =	vld.idx.msk [tilespmem:v10+s4+$0x0], $0xffff  }
0xa9: {  	v3 =	vor.u32 $0x380, v3;
	v11 =	vld.idx.msk [tilespmem:v48+s4+$0x0], $0xffff  }
0xaa: {  	v12 =	vld.idx.msk [tilespmem:v49+s4+$0x0], $0xffff  }
0xab: {  	v13 =	vld.idx.msk [tilespmem:v50+s4+$0x0], $0xffff  }
0xac: {  	v15 =	vld.idx.msk [tilespmem:v51+s4+$0x0], $0xffff  }
0xad: {  	v16 =	vld.idx.msk [tilespmem:v52+s4+$0x0], $0xffff  }
0xae: {  	v3 =	vld.idx.msk [tilespmem:v3+s4+$0x0], $0xffff;
	[tilespmem:s22+$0xFFFFFE40] =	vst v7  }
0xaf: {  	[tilespmem:s22+$0xFFFFFEC0] =	vst v2  }
0xb0: {  	[tilespmem:s22+$0xFFFFFF40] =	vst v4  }
0xb1: {  	[tilespmem:s22+$0xFFFFFFC0] =	vst v5  }
0xb2: {  	[tilespmem:s22+$0x40] =	vst v6  }
0xb3: {  	[tilespmem:s22+$0xC0] =	vst v8  }
0xb4: {  	[tilespmem:s22+$0x140] =	vst v9  }
0xb5: {  	[tilespmem:s22+$0x1C0] =	vst v1  }
0xb6: {  	v1 =	vld.idx.msk [tilespmem:v0+s23+$0x20 ss:$0x1], $0xffff;
	_ =	sdelay $0x4  }
0xb7: {  	v2 =	vshll.u32 v1, $0x3  }
0xb8: {  	v1 =	vand.u32 $0x7F, v1;
	v2 =	vand.u32 $0xFFFFFC00, v2  }
0xb9: {  	v1 =	vor.u32 v1, v2  }
0xba: {  	v2 =	vor.u32 $0x80, v1  }
0xbb: {  	v53 =	vor.u32 $0x100, v1  }
0xbc: {  	v54 =	vor.u32 $0x180, v1  }
0xbd: {  	v55 =	vor.u32 $0x200, v1  }
0xbe: {  	v56 =	vor.u32 $0x280, v1;
	v7 =	vld.idx.msk [tilespmem:v1+s4+$0x0], $0xffff  }
0xbf: {  	v57 =	vor.u32 $0x300, v1;
	v2 =	vld.idx.msk [tilespmem:v2+s4+$0x0], $0xffff  }
0xc0: {  	v1 =	vor.u32 $0x380, v1;
	v4 =	vld.idx.msk [tilespmem:v53+s4+$0x0], $0xffff  }
0xc1: {  	v5 =	vld.idx.msk [tilespmem:v54+s4+$0x0], $0xffff  }
0xc2: {  	v6 =	vld.idx.msk [tilespmem:v55+s4+$0x0], $0xffff  }
0xc3: {  	v8 =	vld.idx.msk [tilespmem:v56+s4+$0x0], $0xffff  }
0xc4: {  	v9 =	vld.idx.msk [tilespmem:v57+s4+$0x0], $0xffff  }
0xc5: {  	v1 =	vld.idx.msk [tilespmem:v1+s4+$0x0], $0xffff;
	[tilespmem:s22+$0xFFFFFE50] =	vst v14  }
0xc6: {  	[tilespmem:s22+$0xFFFFFED0] =	vst v10  }
0xc7: {  	[tilespmem:s22+$0xFFFFFF50] =	vst v11  }
0xc8: {  	[tilespmem:s22+$0xFFFFFFD0] =	vst v12  }
0xc9: {  	[tilespmem:s22+$0x50] =	vst v13  }
0xca: {  	[tilespmem:s22+$0xD0] =	vst v15  }
0xcb: {  	[tilespmem:s22+$0x150] =	vst v16  }
0xcc: {  	[tilespmem:s22+$0x1D0] =	vst v3  }
0xcd: {  	v3 =	vld.idx.msk [tilespmem:v0+s23+$0x30 ss:$0x1], $0xffff;
	_ =	sdelay $0x4  }
0xce: {  	v58 =	vshll.u32 v3, $0x3  }
0xcf: {  	v3 =	vand.u32 $0x7F, v3;
	v10 =	vand.u32 $0xFFFFFC00, v58  }
0xd0: {  	v3 =	vor.u32 v3, v10  }
0xd1: {  	v10 =	vor.u32 $0x80, v3  }
0xd2: {  	v59 =	vor.u32 $0x100, v3  }
0xd3: {  	v60 =	vor.u32 $0x180, v3  }
0xd4: {  	v61 =	vor.u32 $0x200, v3  }
0xd5: {  	v62 =	vor.u32 $0x280, v3;
	v14 =	vld.idx.msk [tilespmem:v3+s4+$0x0], $0xffff  }
0xd6: {  	v63 =	vor.u32 $0x300, v3;
	v10 =	vld.idx.msk [tilespmem:v10+s4+$0x0], $0xffff  }
0xd7: {  	v3 =	vor.u32 $0x380, v3;
	v11 =	vld.idx.msk [tilespmem:v59+s4+$0x0], $0xffff  }
0xd8: {  	v12 =	vld.idx.msk [tilespmem:v60+s4+$0x0], $0xffff  }
0xd9: {  	v13 =	vld.idx.msk [tilespmem:v61+s4+$0x0], $0xffff  }
0xda: {  	v15 =	vld.idx.msk [tilespmem:v62+s4+$0x0], $0xffff  }
0xdb: {  	v16 =	vld.idx.msk [tilespmem:v63+s4+$0x0], $0xffff  }
0xdc: {  	v3 =	vld.idx.msk [tilespmem:v3+s4+$0x0], $0xffff;
	[tilespmem:s22+$0xFFFFFE60] =	vst v7  }
0xdd: {  	[tilespmem:s22+$0xFFFFFEE0] =	vst v2  }
0xde: {  	[tilespmem:s22+$0xFFFFFF60] =	vst v4  }
0xdf: {  	[tilespmem:s22+$0xFFFFFFE0] =	vst v5  }
0xe0: {  	[tilespmem:s22+$0x60] =	vst v6  }
0xe1: {  	[tilespmem:s22+$0xE0] =	vst v8  }
0xe2: {  	[tilespmem:s22+$0x160] =	vst v9  }
0xe3: {  	[tilespmem:s22+$0x1E0] =	vst v1  }
0xe4: {  	[tilespmem:s22+$0xFFFFFE70] =	vst v14  }
0xe5: {  	[tilespmem:s22+$0xFFFFFEF0] =	vst v10  }
0xe6: {  	p1 =	sne.s32 s21, $0x3C00;
	[tilespmem:s22+$0xFFFFFF70] =	vst v11  }
.Ltmp6:
0xe7: {  	[tilespmem:s22+$0xFFFFFFF0] =	vst v12;
	(pc) =	sbr.rel @p1 .LBB2_10-.Ltmp6, $4  }
0xe8: {  	[tilespmem:s22+$0x70] =	vst v13  }
0xe9: {  	[tilespmem:s22+$0xF0] =	vst v15  }
0xea: {  	[tilespmem:s22+$0x170] =	vst v16  }
0xeb: {  	s21 =	sadd.s32 $0x400, s21;
	[tilespmem:s22+$0x1F0] =	vst v3;
	s22 =	sadd.s32 $0x400, s22  }
0xec: {  	s20 =	sshll.u32 s20, $0xF  }
0xed: {  	s20 =	sor.u32 s8, s20  }
0xee: {  	s22 =	sadd.s32 $0x11070, s19;
	s21 =	sadd.s32 s3, s20  }
0xef: {  	[hbm4b:s21+s4] =	stream.linear.scatter [tilespmem:s14], [sflag:$0x2], $0x4000, $0x38;
	[tilespmem:$0x1A000] =	vst v63  }
0xf0: {  	v0 =	vmov s22;
	s21 =	simm.s32 @!p0 $0x3  }
0xf1: {  	_ =	swait.ge @!p0 [sflag:s21], $0x4000  }
0xf2: {  	[sflag:s21] =	ssyncset.done @!p0 $0x0  }
0xf3: {  	s19 =	simm.s32 $0x0;
	[sflag:s21] =	ssyncadd.s32 @!p0 $0xFFFFC000;
	s21 =	simm.s32 $0x16200  }
.LBB2_12:
0xf4: {  	s22 =	sshra.s32 s19, $0x2  }
0xf5: {  	v1 =	vld.idx.msk [tilespmem:v0+s22+$0xFFFFFF90 ss:$0x1], $0xffff  }
0xf6: {  	v3 =	vld.idx.msk [tilespmem:v0+s22+$0xFFFFFFA0 ss:$0x1], $0xffff;
	_ =	sdelay $0x3  }
0xf7: {  	v2 =	vshll.u32 v1, $0x3  }
0xf8: {  	v1 =	vand.u32 $0x7F, v1;
	v10 =	vshll.u32 v3, $0x3;
	v2 =	vand.u32 $0xFFFFFC00, v2  }
0xf9: {  	v3 =	vand.u32 $0x7F, v3;
	v10 =	vand.u32 $0xFFFFFC00, v10;
	v1 =	vor.u32 v1, v2  }
0xfa: {  	v3 =	vor.u32 v3, v10  }
0xfb: {  	v2 =	vor.u32 $0x80, v1  }
0xfc: {  	v4 =	vor.u32 $0x100, v1  }
0xfd: {  	v5 =	vor.u32 $0x180, v1  }
0xfe: {  	v6 =	vor.u32 $0x200, v1;
	v7 =	vld.idx.msk [tilespmem:v1+s4+$0x0], $0xffff  }
0xff: {  	v8 =	vor.u32 $0x280, v1;
	v14 =	vld.idx.msk [tilespmem:v3+s4+$0x0], $0xffff  }
0x100: {  	v9 =	vor.u32 $0x300, v1;
	v2 =	vld.idx.msk [tilespmem:v2+s4+$0x0], $0xffff  }
0x101: {  	v10 =	vor.u32 $0x80, v3;
	v4 =	vld.idx.msk [tilespmem:v4+s4+$0x0], $0xffff  }
0x102: {  	v11 =	vor.u32 $0x100, v3;
	v5 =	vld.idx.msk [tilespmem:v5+s4+$0x0], $0xffff  }
0x103: {  	v12 =	vor.u32 $0x180, v3;
	v6 =	vld.idx.msk [tilespmem:v6+s4+$0x0], $0xffff  }
0x104: {  	v13 =	vor.u32 $0x200, v3;
	v8 =	vld.idx.msk [tilespmem:v8+s4+$0x0], $0xffff  }
0x105: {  	v15 =	vor.u32 $0x280, v3;
	v9 =	vld.idx.msk [tilespmem:v9+s4+$0x0], $0xffff  }
0x106: {  	v16 =	vor.u32 $0x300, v3;
	v10 =	vld.idx.msk [tilespmem:v10+s4+$0x0], $0xffff  }
0x107: {  	v1 =	vor.u32 $0x380, v1;
	v11 =	vld.idx.msk [tilespmem:v11+s4+$0x0], $0xffff  }
0x108: {  	v3 =	vor.u32 $0x380, v3;
	v12 =	vld.idx.msk [tilespmem:v12+s4+$0x0], $0xffff  }
0x109: {  	v13 =	vld.idx.msk [tilespmem:v13+s4+$0x0], $0xffff  }
0x10a: {  	v15 =	vld.idx.msk [tilespmem:v15+s4+$0x0], $0xffff  }
0x10b: {  	v16 =	vld.idx.msk [tilespmem:v16+s4+$0x0], $0xffff  }
0x10c: {  	v1 =	vld.idx.msk [tilespmem:v1+s4+$0x0], $0xffff  }
0x10d: {  	v3 =	vld.idx.msk [tilespmem:v3+s4+$0x0], $0xffff;
	[tilespmem:s21+$0xFFFFFE00] =	vst v7  }
0x10e: {  	[tilespmem:s21+$0xFFFFFE80] =	vst v2  }
0x10f: {  	[tilespmem:s21+$0xFFFFFF00] =	vst v4  }
0x110: {  	[tilespmem:s21+$0xFFFFFF80] =	vst v5  }
0x111: {  	[tilespmem:s21+$0x0] =	vst v6  }
0x112: {  	[tilespmem:s21+$0x80] =	vst v8  }
0x113: {  	[tilespmem:s21+$0x100] =	vst v9  }
0x114: {  	[tilespmem:s21+$0x180] =	vst v1  }
0x115: {  	v1 =	vld.idx.msk [tilespmem:v0+s22+$0xFFFFFFB0 ss:$0x1], $0xffff;
	_ =	sdelay $0x4  }
0x116: {  	v2 =	vshll.u32 v1, $0x3  }
0x117: {  	v1 =	vand.u32 $0x7F, v1;
	v2 =	vand.u32 $0xFFFFFC00, v2  }
0x118: {  	v1 =	vor.u32 v1, v2  }
0x119: {  	v2 =	vor.u32 $0x80, v1  }
0x11a: {  	v31 =	vor.u32 $0x100, v1  }
0x11b: {  	v32 =	vor.u32 $0x180, v1  }
0x11c: {  	v33 =	vor.u32 $0x200, v1  }
0x11d: {  	v34 =	vor.u32 $0x280, v1;
	v7 =	vld.idx.msk [tilespmem:v1+s4+$0x0], $0xffff  }
0x11e: {  	v35 =	vor.u32 $0x300, v1;
	v2 =	vld.idx.msk [tilespmem:v2+s4+$0x0], $0xffff  }
0x11f: {  	v1 =	vor.u32 $0x380, v1;
	v4 =	vld.idx.msk [tilespmem:v31+s4+$0x0], $0xffff  }
0x120: {  	v5 =	vld.idx.msk [tilespmem:v32+s4+$0x0], $0xffff  }
0x121: {  	v6 =	vld.idx.msk [tilespmem:v33+s4+$0x0], $0xffff  }
0x122: {  	v8 =	vld.idx.msk [tilespmem:v34+s4+$0x0], $0xffff  }
0x123: {  	v9 =	vld.idx.msk [tilespmem:v35+s4+$0x0], $0xffff  }
0x124: {  	v1 =	vld.idx.msk [tilespmem:v1+s4+$0x0], $0xffff;
	[tilespmem:s21+$0xFFFFFE10] =	vst v14  }
0x125: {  	[tilespmem:s21+$0xFFFFFE90] =	vst v10  }
0x126: {  	[tilespmem:s21+$0xFFFFFF10] =	vst v11  }
0x127: {  	[tilespmem:s21+$0xFFFFFF90] =	vst v12  }
0x128: {  	[tilespmem:s21+$0x10] =	vst v13  }
0x129: {  	[tilespmem:s21+$0x90] =	vst v15  }
0x12a: {  	[tilespmem:s21+$0x110] =	vst v16  }
0x12b: {  	[tilespmem:s21+$0x190] =	vst v3  }
0x12c: {  	v3 =	vld.idx.msk [tilespmem:v0+s22+$0xFFFFFFC0 ss:$0x1], $0xffff;
	_ =	sdelay $0x4  }
0x12d: {  	v36 =	vshll.u32 v3, $0x3  }
0x12e: {  	v3 =	vand.u32 $0x7F, v3;
	v10 =	vand.u32 $0xFFFFFC00, v36  }
0x12f: {  	v3 =	vor.u32 v3, v10  }
0x130: {  	v10 =	vor.u32 $0x80, v3  }
0x131: {  	v37 =	vor.u32 $0x100, v3  }
0x132: {  	v38 =	vor.u32 $0x180, v3  }
0x133: {  	v39 =	vor.u32 $0x200, v3  }
0x134: {  	v40 =	vor.u32 $0x280, v3;
	v14 =	vld.idx.msk [tilespmem:v3+s4+$0x0], $0xffff  }
0x135: {  	v41 =	vor.u32 $0x300, v3;
	v10 =	vld.idx.msk [tilespmem:v10+s4+$0x0], $0xffff  }
0x136: {  	v3 =	vor.u32 $0x380, v3;
	v11 =	vld.idx.msk [tilespmem:v37+s4+$0x0], $0xffff  }
0x137: {  	v12 =	vld.idx.msk [tilespmem:v38+s4+$0x0], $0xffff  }
0x138: {  	v13 =	vld.idx.msk [tilespmem:v39+s4+$0x0], $0xffff  }
0x139: {  	v15 =	vld.idx.msk [tilespmem:v40+s4+$0x0], $0xffff  }
0x13a: {  	v16 =	vld.idx.msk [tilespmem:v41+s4+$0x0], $0xffff  }
0x13b: {  	v3 =	vld.idx.msk [tilespmem:v3+s4+$0x0], $0xffff;
	[tilespmem:s21+$0xFFFFFE20] =	vst v7  }
0x13c: {  	[tilespmem:s21+$0xFFFFFEA0] =	vst v2  }
0x13d: {  	[tilespmem:s21+$0xFFFFFF20] =	vst v4  }
0x13e: {  	[tilespmem:s21+$0xFFFFFFA0] =	vst v5  }
0x13f: {  	[tilespmem:s21+$0x20] =	vst v6  }
0x140: {  	[tilespmem:s21+$0xA0] =	vst v8  }
0x141: {  	[tilespmem:s21+$0x120] =	vst v9  }
0x142: {  	[tilespmem:s21+$0x1A0] =	vst v1  }
0x143: {  	v1 =	vld.idx.msk [tilespmem:v0+s22+$0xFFFFFFD0 ss:$0x1], $0xffff;
	_ =	sdelay $0x4  }
0x144: {  	v2 =	vshll.u32 v1, $0x3  }
0x145: {  	v1 =	vand.u32 $0x7F, v1;
	v2 =	vand.u32 $0xFFFFFC00, v2  }
0x146: {  	v1 =	vor.u32 v1, v2  }
0x147: {  	v2 =	vor.u32 $0x80, v1  }
0x148: {  	v42 =	vor.u32 $0x100, v1  }
0x149: {  	v43 =	vor.u32 $0x180, v1  }
0x14a: {  	v44 =	vor.u32 $0x200, v1  }
0x14b: {  	v45 =	vor.u32 $0x280, v1;
	v7 =	vld.idx.msk [tilespmem:v1+s4+$0x0], $0xffff  }
0x14c: {  	v46 =	vor.u32 $0x300, v1;
	v2 =	vld.idx.msk [tilespmem:v2+s4+$0x0], $0xffff  }
0x14d: {  	v1 =	vor.u32 $0x380, v1;
	v4 =	vld.idx.msk [tilespmem:v42+s4+$0x0], $0xffff  }
0x14e: {  	v5 =	vld.idx.msk [tilespmem:v43+s4+$0x0], $0xffff  }
0x14f: {  	v6 =	vld.idx.msk [tilespmem:v44+s4+$0x0], $0xffff  }
0x150: {  	v8 =	vld.idx.msk [tilespmem:v45+s4+$0x0], $0xffff  }
0x151: {  	v9 =	vld.idx.msk [tilespmem:v46+s4+$0x0], $0xffff  }
0x152: {  	v1 =	vld.idx.msk [tilespmem:v1+s4+$0x0], $0xffff;
	[tilespmem:s21+$0xFFFFFE30] =	vst v14  }
0x153: {  	[tilespmem:s21+$0xFFFFFEB0] =	vst v10  }
0x154: {  	[tilespmem:s21+$0xFFFFFF30] =	vst v11  }
0x155: {  	[tilespmem:s21+$0xFFFFFFB0] =	vst v12  }
0x156: {  	[tilespmem:s21+$0x30] =	vst v13  }
0x157: {  	[tilespmem:s21+$0xB0] =	vst v15  }
0x158: {  	[tilespmem:s21+$0x130] =	vst v16  }
0x159: {  	[tilespmem:s21+$0x1B0] =	vst v3  }
0x15a: {  	v3 =	vld.idx.msk [tilespmem:v0+s22+$0xFFFFFFE0 ss:$0x1], $0xffff;
	_ =	sdelay $0x4  }
0x15b: {  	v47 =	vshll.u32 v3, $0x3  }
0x15c: {  	v3 =	vand.u32 $0x7F, v3;
	v10 =	vand.u32 $0xFFFFFC00, v47  }
0x15d: {  	v3 =	vor.u32 v3, v10  }
0x15e: {  	v10 =	vor.u32 $0x80, v3  }
0x15f: {  	v48 =	vor.u32 $0x100, v3  }
0x160: {  	v49 =	vor.u32 $0x180, v3  }
0x161: {  	v50 =	vor.u32 $0x200, v3  }
0x162: {  	v51 =	vor.u32 $0x280, v3;
	v14 =	vld.idx.msk [tilespmem:v3+s4+$0x0], $0xffff  }
0x163: {  	v52 =	vor.u32 $0x300, v3;
	v10 =	vld.idx.msk [tilespmem:v10+s4+$0x0], $0xffff  }
0x164: {  	v3 =	vor.u32 $0x380, v3;
	v11 =	vld.idx.msk [tilespmem:v48+s4+$0x0], $0xffff  }
0x165: {  	v12 =	vld.idx.msk [tilespmem:v49+s4+$0x0], $0xffff  }
0x166: {  	v13 =	vld.idx.msk [tilespmem:v50+s4+$0x0], $0xffff  }
0x167: {  	v15 =	vld.idx.msk [tilespmem:v51+s4+$0x0], $0xffff  }
0x168: {  	v16 =	vld.idx.msk [tilespmem:v52+s4+$0x0], $0xffff  }
0x169: {  	v3 =	vld.idx.msk [tilespmem:v3+s4+$0x0], $0xffff;
	[tilespmem:s21+$0xFFFFFE40] =	vst v7  }
0x16a: {  	[tilespmem:s21+$0xFFFFFEC0] =	vst v2  }
0x16b: {  	[tilespmem:s21+$0xFFFFFF40] =	vst v4  }
0x16c: {  	[tilespmem:s21+$0xFFFFFFC0] =	vst v5  }
0x16d: {  	[tilespmem:s21+$0x40] =	vst v6  }
0x16e: {  	[tilespmem:s21+$0xC0] =	vst v8  }
0x16f: {  	[tilespmem:s21+$0x140] =	vst v9  }
0x170: {  	[tilespmem:s21+$0x1C0] =	vst v1  }
0x171: {  	v1 =	vld.idx.msk [tilespmem:v0+s22+$0xFFFFFFF0 ss:$0x1], $0xffff;
	_ =	sdelay $0x4  }
0x172: {  	v2 =	vshll.u32 v1, $0x3  }
0x173: {  	v1 =	vand.u32 $0x7F, v1;
	v2 =	vand.u32 $0xFFFFFC00, v2  }
0x174: {  	v1 =	vor.u32 v1, v2  }
0x175: {  	v2 =	vor.u32 $0x80, v1  }
0x176: {  	v53 =	vor.u32 $0x100, v1  }
0x177: {  	v54 =	vor.u32 $0x180, v1  }
0x178: {  	v55 =	vor.u32 $0x200, v1  }
0x179: {  	v56 =	vor.u32 $0x280, v1;
	v7 =	vld.idx.msk [tilespmem:v1+s4+$0x0], $0xffff  }
0x17a: {  	v57 =	vor.u32 $0x300, v1;
	v2 =	vld.idx.msk [tilespmem:v2+s4+$0x0], $0xffff  }
0x17b: {  	v1 =	vor.u32 $0x380, v1;
	v4 =	vld.idx.msk [tilespmem:v53+s4+$0x0], $0xffff  }
0x17c: {  	v5 =	vld.idx.msk [tilespmem:v54+s4+$0x0], $0xffff  }
0x17d: {  	v6 =	vld.idx.msk [tilespmem:v55+s4+$0x0], $0xffff  }
0x17e: {  	v8 =	vld.idx.msk [tilespmem:v56+s4+$0x0], $0xffff  }
0x17f: {  	v9 =	vld.idx.msk [tilespmem:v57+s4+$0x0], $0xffff  }
0x180: {  	v1 =	vld.idx.msk [tilespmem:v1+s4+$0x0], $0xffff;
	[tilespmem:s21+$0xFFFFFE50] =	vst v14  }
0x181: {  	[tilespmem:s21+$0xFFFFFED0] =	vst v10  }
0x182: {  	[tilespmem:s21+$0xFFFFFF50] =	vst v11  }
0x183: {  	[tilespmem:s21+$0xFFFFFFD0] =	vst v12  }
0x184: {  	[tilespmem:s21+$0x50] =	vst v13  }
0x185: {  	[tilespmem:s21+$0xD0] =	vst v15  }
0x186: {  	[tilespmem:s21+$0x150] =	vst v16  }
0x187: {  	[tilespmem:s21+$0x1D0] =	vst v3  }
0x188: {  	v3 =	vld.idx.msk [tilespmem:v0+s22+$0x0 ss:$0x1], $0xffff;
	_ =	sdelay $0x4  }
0x189: {  	v58 =	vshll.u32 v3, $0x3  }
0x18a: {  	v3 =	vand.u32 $0x7F, v3;
	v10 =	vand.u32 $0xFFFFFC00, v58  }
0x18b: {  	v3 =	vor.u32 v3, v10  }
0x18c: {  	v10 =	vor.u32 $0x80, v3  }
0x18d: {  	v59 =	vor.u32 $0x100, v3  }
0x18e: {  	v60 =	vor.u32 $0x180, v3  }
0x18f: {  	v61 =	vor.u32 $0x200, v3  }
0x190: {  	v62 =	vor.u32 $0x280, v3;
	v14 =	vld.idx.msk [tilespmem:v3+s4+$0x0], $0xffff  }
0x191: {  	v63 =	vor.u32 $0x300, v3;
	v10 =	vld.idx.msk [tilespmem:v10+s4+$0x0], $0xffff  }
0x192: {  	v3 =	vor.u32 $0x380, v3;
	v11 =	vld.idx.msk [tilespmem:v59+s4+$0x0], $0xffff  }
0x193: {  	v12 =	vld.idx.msk [tilespmem:v60+s4+$0x0], $0xffff  }
0x194: {  	v13 =	vld.idx.msk [tilespmem:v61+s4+$0x0], $0xffff  }
0x195: {  	v15 =	vld.idx.msk [tilespmem:v62+s4+$0x0], $0xffff  }
0x196: {  	v16 =	vld.idx.msk [tilespmem:v63+s4+$0x0], $0xffff  }
0x197: {  	v3 =	vld.idx.msk [tilespmem:v3+s4+$0x0], $0xffff;
	[tilespmem:s21+$0xFFFFFE60] =	vst v7  }
0x198: {  	[tilespmem:s21+$0xFFFFFEE0] =	vst v2  }
0x199: {  	[tilespmem:s21+$0xFFFFFF60] =	vst v4  }
0x19a: {  	[tilespmem:s21+$0xFFFFFFE0] =	vst v5  }
0x19b: {  	[tilespmem:s21+$0x60] =	vst v6  }
0x19c: {  	[tilespmem:s21+$0xE0] =	vst v8  }
0x19d: {  	[tilespmem:s21+$0x160] =	vst v9  }
0x19e: {  	[tilespmem:s21+$0x1E0] =	vst v1  }
0x19f: {  	[tilespmem:s21+$0xFFFFFE70] =	vst v14  }
0x1a0: {  	[tilespmem:s21+$0xFFFFFEF0] =	vst v10  }
0x1a1: {  	p0 =	sne.s32 s19, $0x3C00;
	[tilespmem:s21+$0xFFFFFF70] =	vst v11  }
.Ltmp7:
0x1a2: {  	[tilespmem:s21+$0xFFFFFFF0] =	vst v12;
	(pc) =	sbr.rel @p0 .LBB2_12-.Ltmp7, $4  }
0x1a3: {  	[tilespmem:s21+$0x70] =	vst v13  }
0x1a4: {  	[tilespmem:s21+$0xF0] =	vst v15  }
0x1a5: {  	[tilespmem:s21+$0x170] =	vst v16  }
0x1a6: {  	s19 =	sadd.s32 $0x400, s19;
	[tilespmem:s21+$0x1F0] =	vst v3;
	s21 =	sadd.s32 $0x400, s21  }
0x1a7: {  	p0 =	sne.s32 s18, $0x32  }
.Ltmp8:
0x1a8: {  	_ = 	snop;
	(pc) =	sbr.rel @p0 .LBB2_3-.Ltmp8, $3  }
0x1a9: {  	_ =	sdelay $0x1  }
0x1aa: {  	s19 =	sadd.s32 s20, s9  }
0x1ab: {  	[hbm4b:s19+s4] =	stream.linear.scatter [tilespmem:s15], [sflag:$0x3], $0x4000, $0x38;
	[tilespmem:$0x1A000] =	vst v63  }
0x1ac: {  	s17 =	sadd.s32 $0x1, s17  }
0x1ad: {  	_ =	swait.ge [sflag:s13], $0x4000;
	p0 =	sne.s32 s17, s10  }
.Ltmp9:
0x1ae: {  	[sflag:s13] =	ssyncset.done $0x0;
	(pc) =	sbr.rel @p0 .LBB2_1-.Ltmp9, $4  }
0x1af: {  	[sflag:s13] =	ssyncadd.s32 $0xFFFFC000  }
0x1b0: {  	_ =	swait.ge [sflag:s16], $0x4000  }
0x1b1: {  	[sflag:s16] =	ssyncset.done $0x0  }
0x1b2: {  	[sflag:s16] =	ssyncadd.s32 $0xFFFFC000  }
0x1b3: {  	_ =	sfence.sel $0x180000  }
0x1b4: {  	[bflag:$0x0] =	sbarrier.arrive $0xFFFF  }
0x1b5: {  	p0 =	sne.s32 s0, $0x0;
	_ =	strace $0x90000047  }
0x1b6: {  	s0 =	sadd.s32 @!p0 $0x100000, s1;
	[bflag:$0x2] =	sbarrier.arrive $0xFFFF  }
0x1b7: {  	[sflag:s0] =	ssyncadd.tile.s32 @!p0 $0x1;
	_ =	shalt  }
.Lfunc_end2:
_tile_overlayer_lowered:
.L_overlay_start_2:
0x1b8: {  	(tag) =	ssettag $0x2  }
0x1b9: {  	s0 =	rddreg [dreg:$0x0];
	s2 =	stileid.u32  }
0x1ba: {  	s1 =	rddreg [dreg:$0x1];
	p0 =	sne.s32 s2, $0x0  }
0x1bb: {  	s3 =	rddreg [dreg:$0x2];
	[bflag:$0x3] =	sbarrier.arrive $0xFFFF;
	s2 =	simm.s32 @!p0 $0x1C04  }
0x1bc: {  	[timem:s3], [sflag:s2] =	dma.local @!p0 [hbm:s0], s1  }
0x1bd: {  	s0 =	simm.s32 @!p0 $0x4  }
0x1be: {  	_ =	swait.ge @!p0 [sflag:s0], s1  }
0x1bf: {  	s1 =	ssub.s32 @!p0 $0x0, s1;
	[sflag:s0] =	ssyncset.done @!p0 $0x0  }
0x1c0: {  	[sflag:s0] =	ssyncadd.s32 @!p0 s1  }
0x1c1: {  	[bflag:$0x3] =	sbarrier.arrive $0xFFFF  }
0x1c2: {  	_ =	shalt  }

</sc_bundles>
